<compile_context>
chip_gen: v7x
topology: tpu7x:2x2x1
jax: 0.10.2.dev20260603
libtpu: 0.0.44.dev20260713+nightly
codegen_flags: <defaults>
</compile_context>

<pallas_src>
import functools

import jax
import jax.numpy as jnp
from jax import lax
from jax.experimental import pallas as pl
from jax.experimental.pallas import tpu as pltpu
from jax.experimental.pallas import tpu_sc as plsc

N_NODES = 100000
N_HEADS = 8
N_EDGES = 6400000
NSHARD = 4


@functools.lru_cache(maxsize=None)
def _build(E, H, N, nshard, C, CM, CP, interpret=False):
    ES = E // nshard
    NCHUNK = ES // C
    NV = C // 16
    NTV = N // 16
    mesh = plsc.VectorSubcoreMesh(
        core_axis_name="c", subcore_axis_name="s", num_cores=2, num_subcores=16
    )
    NW = 2 * 16
    P = (nshard * H * N) // NW

    def tile_ids():
        c = lax.axis_index("c")
        s = lax.axis_index("s")
        head = s % H
        shard = (s // H) * 2 + c
        return c, s, head, shard

    @functools.partial(
        pl.kernel,
        out_type=jax.ShapeDtypeStruct((nshard, H, N), jnp.float32),
        mesh=mesh,
        scratch_types=[
            pltpu.VMEM((N,), jnp.float32),
            pltpu.VMEM((C,), jnp.int32),
            pltpu.VMEM((C,), jnp.float32),
        ],
        compiler_params=pltpu.CompilerParams(needs_layout_passes=False, use_tc_tiling_on_sc=False),
        interpret=interpret,
    )
    def k1(lt_hbm, dst_hbm, pmax_hbm, tab, dbuf, lbuf):
        _, _, head, shard = tile_ids()
        base = shard * ES

        neg_inf = jnp.full((16,), -jnp.inf, jnp.float32)

        def init_body(i, _):
            tab[pl.ds(i * 16, 16)] = neg_inf
            return 0

        lax.fori_loop(0, NTV, init_body, 0)

        def chunk_body(g, _):
            off = base + g * C
            pltpu.sync_copy(dst_hbm.at[pl.ds(off, C)], dbuf)
            pltpu.sync_copy(lt_hbm.at[head, pl.ds(off, C)], lbuf)

            def vreg_body(v, _):
                kd = dbuf[pl.ds(v * 16, 16)]
                x = lbuf[pl.ds(v * 16, 16)]
                sv, sk = plsc.sort_key_val(x, kd)
                _, mlast = plsc.scan_count(sk)
                old = plsc.load_gather(tab, [sk], mask=mlast)
                plsc.store_scatter(tab, [sk], jnp.maximum(old, sv), mask=mlast)
                return 0

            lax.fori_loop(0, NV, vreg_body, 0)
            return 0

        lax.fori_loop(0, NCHUNK, chunk_body, 0)
        pltpu.sync_copy(tab, pmax_hbm.at[shard, head])

    NM = N // CM
    NMV = CM // 16

    @functools.partial(
        pl.kernel,
        out_type=jax.ShapeDtypeStruct((H, E), jnp.float32),
        mesh=mesh,
        scratch_types=[
            pltpu.VMEM((N,), jnp.float32),
            pltpu.VMEM((nshard, CM), jnp.float32),
            pltpu.VMEM((C,), jnp.int32),
            pltpu.VMEM((C,), jnp.float32),
            pltpu.VMEM((C,), jnp.float32),
        ],
        compiler_params=pltpu.CompilerParams(needs_layout_passes=False, use_tc_tiling_on_sc=False),
        interpret=interpret,
    )
    def k3a(lt_hbm, dst_hbm, pmax_hbm, sco_hbm, tab, mbuf, dbuf, lbuf, sbuf):
        _, _, head, shard = tile_ids()
        base = shard * ES

        def merge_body(t, _):
            noff = t * CM
            for j in range(nshard):
                pltpu.sync_copy(pmax_hbm.at[j, head, pl.ds(noff, CM)], mbuf.at[j])

            def mv_body(v, _):
                m = mbuf[0, pl.ds(v * 16, 16)]
                for j in range(1, nshard):
                    m = jnp.maximum(m, mbuf[j, pl.ds(v * 16, 16)])
                tab[pl.ds(noff + v * 16, 16)] = m
                return 0

            lax.fori_loop(0, NMV, mv_body, 0)
            return 0

        lax.fori_loop(0, NM, merge_body, 0)

        def chunk_body(g, _):
            off = base + g * C
            pltpu.sync_copy(dst_hbm.at[pl.ds(off, C)], dbuf)
            pltpu.sync_copy(lt_hbm.at[head, pl.ds(off, C)], lbuf)

            def vreg_body(v, _):
                kd = dbuf[pl.ds(v * 16, 16)]
                x = lbuf[pl.ds(v * 16, 16)]
                mx = plsc.load_gather(tab, [kd])
                sbuf[pl.ds(v * 16, 16)] = jnp.exp(x - mx)
                return 0

            lax.fori_loop(0, NV, vreg_body, 0)
            pltpu.sync_copy(sbuf, sco_hbm.at[head, pl.ds(off, C)])
            return 0

        lax.fori_loop(0, NCHUNK, chunk_body, 0)

    @functools.partial(
        pl.kernel,
        out_type=jax.ShapeDtypeStruct((nshard, H, N), jnp.float32),
        mesh=mesh,
        scratch_types=[
            pltpu.VMEM((N,), jnp.float32),
            pltpu.VMEM((C,), jnp.int32),
            pltpu.VMEM((C,), jnp.float32),
        ],
        compiler_params=pltpu.CompilerParams(needs_layout_passes=False, use_tc_tiling_on_sc=False),
        interpret=interpret,
    )
    def k3b(sco_hbm, dst_hbm, pnorm_hbm, tab, dbuf, sbuf):
        _, _, head, shard = tile_ids()
        base = shard * ES

        zeros = jnp.zeros((16,), jnp.float32)

        def init_body(i, _):
            tab[pl.ds(i * 16, 16)] = zeros
            return 0

        lax.fori_loop(0, NTV, init_body, 0)

        def chunk_body(g, _):
            off = base + g * C
            pltpu.sync_copy(dst_hbm.at[pl.ds(off, C)], dbuf)
            pltpu.sync_copy(sco_hbm.at[head, pl.ds(off, C)], sbuf)

            def vreg_body(v, _):
                kd = dbuf[pl.ds(v * 16, 16)]
                sval = sbuf[pl.ds(v * 16, 16)]
                plsc.addupdate_scatter(tab, [kd], sval)
                return 0

            lax.fori_loop(0, NV, vreg_body, 0)
            return 0

        lax.fori_loop(0, NCHUNK, chunk_body, 0)
        pltpu.sync_copy(tab, pnorm_hbm.at[shard, head])

    FL = H * N
    SPAN = FL // NW
    NP = SPAN // CP
    NFV = CP // 16
    TAIL = CP - NFV * 16

    @functools.partial(
        pl.kernel,
        out_type=jax.ShapeDtypeStruct((FL,), jnp.float32),
        mesh=mesh,
        scratch_types=[
            pltpu.VMEM((nshard, CP), jnp.float32),
            pltpu.VMEM((CP,), jnp.float32),
        ],
        compiler_params=pltpu.CompilerParams(needs_layout_passes=False, use_tc_tiling_on_sc=False),
        interpret=interpret,
    )
    def k4(pnorm_hbm, norm_hbm, abuf, obuf):
        c = lax.axis_index("c")
        s = lax.axis_index("s")
        tid = s * 2 + c
        toff = tid * SPAN

        def chunk_body(t, _):
            off = toff + t * CP
            for j in range(nshard):
                pltpu.sync_copy(pnorm_hbm.at[j, pl.ds(off, CP)], abuf.at[j])

            def v_body(v, _):
                acc = abuf[0, pl.ds(v * 16, 16)]
                for j in range(1, nshard):
                    acc = acc + abuf[j, pl.ds(v * 16, 16)]
                obuf[pl.ds(v * 16, 16)] = acc
                return 0

            lax.fori_loop(0, NFV, v_body, 0)
            if TAIL:
                tv = CP - 16
                acc = abuf[0, pl.ds(tv, 16)]
                for j in range(1, nshard):
                    acc = acc + abuf[j, pl.ds(tv, 16)]
                obuf[pl.ds(tv, 16)] = acc
            pltpu.sync_copy(obuf, norm_hbm.at[pl.ds(off, CP)])
            return 0

        lax.fori_loop(0, NP, chunk_body, 0)

    return k1, k3a, k3b, k4


def kernel(logits, edge_index):
    E, H, _ = logits.shape
    N = N_NODES
    dst = edge_index[1].astype(jnp.int32)
    lt = jnp.transpose(logits.reshape(E, H))
    k1, k3a, k3b, k4 = _build(E, H, N, NSHARD, 6400, 2000, 5000)
    pmax = k1(lt, dst)
    scoresT = k3a(lt, dst, pmax)
    pnorm = k3b(scoresT, dst)
    norm = k4(pnorm.reshape(NSHARD, H * N))
    scores = jnp.transpose(scoresT).reshape(E, H, 1)
    normalizer = jnp.transpose(norm.reshape(H, N)).reshape(N, H, 1)
    return scores, normalizer

# --- scband reference (transcript-rebuilt; emitter-appended) ---
"""Pipeline reference for scband-edge-softmax-74182675137182 (READ-ONLY COPY).

The authoritative reference and input builder live on the scoring server;
editing this copy changes nothing except your own understanding.
"""

import jax, jax.numpy as jnp
import numpy as np

N_NODES = 100000
N_EDGES = 6400000
N_HEADS = 8


def setup_inputs(seed: int = 0) -> dict:
    key = jax.random.key(seed)
    k1, k2 = jax.random.split(key)
    logits = jax.random.normal(k1, (N_EDGES, N_HEADS, 1), dtype=jnp.float32)
    edge_index = jax.random.randint(k2, (2, N_EDGES), 0, N_NODES, dtype=jnp.int64)
    return {"logits": logits, "edge_index": edge_index}


def reference(logits, edge_index):
    # EdgeSoftmax: numerically-stable unnormalized edge softmax.
    # dst node of each edge (edges point src -> dst; softmax over incoming edges of dst)
    dst = edge_index[1]
    # Step 1: max over incoming edges per destination node (copy_edge + fn.max)
    max_logits = jax.ops.segment_max(logits, dst, num_segments=N_NODES)
    # Step 2: apply_edges: exp(z_ij - max_i)  (gather max back to edges)
    scores = jnp.exp(logits - max_logits[dst])
    # Step 3: sum of exps per destination node (copy_edge + fn.sum)
    normalizer = jax.ops.segment_sum(scores, dst, num_segments=N_NODES)
    return scores, normalizer

if __name__ == "__main__":
    import jax
    _d = setup_inputs()
    print(jax.jit(kernel)(*tuple(_d.values())))

</pallas_src>

<mosaic_0001>
#map = affine_map<(d0, d1) -> (0, 0)>
#map1 = affine_map<(d0, d1) -> (0)>
#map2 = affine_map<(d0, d1) -> (0, 0, 0)>
module attributes {stable_mosaic.version = 14 : i64} {
  func.func @k1(%arg0: i32, %arg1: i32, %arg2: memref<8x6400000xf32, #tpu.memory_space<hbm>>, %arg3: memref<6400000xi32, #tpu.memory_space<hbm>>, %arg4: memref<4x8x100000xf32, #tpu.memory_space<hbm>>, %arg5: memref<100000xf32, #tpu.memory_space<vmem>>, %arg6: memref<6400xi32, #tpu.memory_space<vmem>>, %arg7: memref<6400xf32, #tpu.memory_space<vmem>>) attributes {dimension_semantics = [#tpu.dimension_semantics<core_parallel>, #tpu.dimension_semantics<subcore_parallel>], iteration_bounds = array<i64: 2, 16>, scalar_prefetch = 0 : i64, scratch_operands = 3 : i64, tpu.core_type = #tpu.core_type<sc_vector_subcore>, window_params = [{transform_indices = #map}, {transform_indices = #map1}, {transform_indices = #map2}]} {
    %jit3A = arith.constant 8 : i32
    %eq3A = arith.constant 0 : i32
    %eq3A_0 = arith.cmpi eq, %jit3A, %eq3A : i32
    %jit3A_1 = arith.constant 1 : i32
    %select_n3A = arith.select %eq3A_0, %jit3A_1, %jit3A : i32
    %rem3A = arith.remsi %arg1, %select_n3A : i32
    %ne3A = arith.constant 0 : i32
    %ne3A_2 = arith.cmpi ne, %rem3A, %ne3A : i32
    %lt3A = arith.constant 0 : i32
    %lt3A_3 = arith.cmpi slt, %rem3A, %lt3A : i32
    %lt3A_4 = arith.constant 0 : i32
    %lt3A_5 = arith.cmpi slt, %select_n3A, %lt3A_4 : i32
    %ne3A_6 = arith.xori %lt3A_3, %lt3A_5 : i1
    %and3A = arith.andi %ne3A_6, %ne3A_2 : i1
    %add3A = arith.addi %rem3A, %select_n3A : i32
    %select_n3A_7 = arith.select %and3A, %add3A, %rem3A : i32
    %jit3A_8 = arith.constant 8 : i32
    %div3A = arith.divsi %arg1, %jit3A_8 : i32
    %sign3A = arith.constant 0 : i32
    %sign3A_9 = arith.cmpi sgt, %arg1, %sign3A : i32
    %sign3A_10 = arith.extui %sign3A_9 : i1 to i32
    %sign3A_11 = arith.constant 0 : i32
    %sign3A_12 = arith.cmpi slt, %arg1, %sign3A_11 : i32
    %sign3A_13 = arith.extui %sign3A_12 : i1 to i32
    %sign3A_14 = arith.subi %sign3A_10, %sign3A_13 : i32
    %sign3A_15 = arith.constant 0 : i32
    %sign3A_16 = arith.cmpi sgt, %jit3A_8, %sign3A_15 : i32
    %sign3A_17 = arith.extui %sign3A_16 : i1 to i32
    %sign3A_18 = arith.constant 0 : i32
    %sign3A_19 = arith.cmpi slt, %jit3A_8, %sign3A_18 : i32
    %sign3A_20 = arith.extui %sign3A_19 : i1 to i32
    %sign3A_21 = arith.subi %sign3A_17, %sign3A_20 : i32
    %ne3A_22 = arith.cmpi ne, %sign3A_14, %sign3A_21 : i32
    %rem3A_23 = arith.remsi %arg1, %jit3A_8 : i32
    %ne3A_24 = arith.constant 0 : i32
    %ne3A_25 = arith.cmpi ne, %rem3A_23, %ne3A_24 : i32
    %and3A_26 = arith.andi %ne3A_22, %ne3A_25 : i1
    %sub3A = arith.constant 1 : i32
    %sub3A_27 = arith.subi %div3A, %sub3A : i32
    %select_n3A_28 = arith.select %and3A_26, %sub3A_27, %div3A : i32
    %mul3A = arith.constant 2 : i32
    %mul3A_29 = arith.muli %select_n3A_28, %mul3A : i32
    %add3A_30 = arith.addi %mul3A_29, %arg0 : i32
    %mul3A_31 = arith.constant 1600000 : i32
    %mul3A_32 = arith.muli %add3A_30, %mul3A_31 : i32
    %broadcast_in_dim3A = arith.constant 0xFF800000 : f32
    %broadcast_in_dim3A_33 = vector.broadcast %broadcast_in_dim3A : f32 to vector<16xf32>
    %scan3A = arith.constant 0 : i32
    %scan3A_34 = arith.constant 0 : i32
    %scan3A_35 = arith.constant 6250 : i32
    %scan3A_36 = arith.addi %scan3A_34, %scan3A_35 : i32
    %scan3A_37 = arith.constant 1 : i32
    %scan3A_38 = scf.for %scan3A_47 = %scan3A_34 to %scan3A_36 step %scan3A_37 iter_args(%scan3A_48 = %scan3A) -> (i32)  : i32 {
      %mul3A_49 = arith.constant 16 : i32
      %mul3A_50 = arith.muli %scan3A_47, %mul3A_49 : i32
      %swap3A = arith.index_cast %mul3A_50 : i32 to index
      %swap3A_51 = tpu.vector_load %arg5[%swap3A] {strides = array<i32>} : memref<100000xf32, #tpu.memory_space<vmem>>, vector<16xf32>,
      tpu.vector_store %arg5[%swap3A], %broadcast_in_dim3A_33 {strides = array<i32>} : memref<100000xf32, #tpu.memory_space<vmem>>, vector<16xf32>,
      %scan3A_52 = arith.constant 0 : i32
      scf.yield %scan3A_52 : i32
    }
    %scan3A_39 = arith.constant 6250 : i32
    %scan3A_40 = arith.constant 0 : i32
    %scan3A_41 = arith.constant 0 : i32
    %scan3A_42 = arith.constant 250 : i32
    %scan3A_43 = arith.addi %scan3A_41, %scan3A_42 : i32
    %scan3A_44 = arith.constant 1 : i32
    %scan3A_45 = scf.for %scan3A_47 = %scan3A_41 to %scan3A_43 step %scan3A_44 iter_args(%scan3A_48 = %scan3A_40) -> (i32)  : i32 {
      %mul3A_49 = arith.constant 6400 : i32
      %mul3A_50 = arith.muli %scan3A_47, %mul3A_49 : i32
      %add3A_51 = arith.addi %mul3A_32, %mul3A_50 : i32
      "tpu.region"() ({
        %run_scoped3A = tpu.sem_alloc : memref<!tpu.dma_semaphore, #tpu.memory_space<semaphore_mem>>
        %dma_start3A = tpu.memref_slice %arg3[%add3A_51] : memref<6400000xi32, #tpu.memory_space<hbm>> -> memref<6400xi32, #tpu.memory_space<hbm>>
        %dma_start3A_60 = tpu.memref_slice %arg3[%add3A_51] : memref<6400000xi32, #tpu.memory_space<hbm>> -> memref<6400xi32, #tpu.memory_space<hbm>>
        tpu.enqueue_dma source(%dma_start3A_60 : memref<6400xi32, #tpu.memory_space<hbm>>) target(%arg6 : memref<6400xi32, #tpu.memory_space<vmem>>) target_semaphore(%run_scoped3A : memref<!tpu.dma_semaphore, #tpu.memory_space<semaphore_mem>>)
        %dma_wait3A = tpu.memref_slice %arg3[%add3A_51] : memref<6400000xi32, #tpu.memory_space<hbm>> -> memref<6400xi32, #tpu.memory_space<hbm>>
        %dma_wait3A_61 = tpu.memref_slice %arg3[%add3A_51] : memref<6400000xi32, #tpu.memory_space<hbm>> -> memref<6400xi32, #tpu.memory_space<hbm>>
        tpu.wait_dma2 semaphore(%run_scoped3A : memref<!tpu.dma_semaphore, #tpu.memory_space<semaphore_mem>>) src(%dma_wait3A_61 : memref<6400xi32, #tpu.memory_space<hbm>>) dst(%arg6 : memref<6400xi32, #tpu.memory_space<vmem>>)
        tpu.yield
      }) : () -> ()
      "tpu.region"() ({
        %run_scoped3A = tpu.sem_alloc : memref<!tpu.dma_semaphore, #tpu.memory_space<semaphore_mem>>
        %dma_start3A = tpu.memref_slice %arg2[%select_n3A_7, %add3A_51] : memref<8x6400000xf32, #tpu.memory_space<hbm>> -> memref<1x6400xf32, #tpu.memory_space<hbm>>
        %dma_start3A_60 = tpu.memref_squeeze %dma_start3A : memref<1x6400xf32, #tpu.memory_space<hbm>> -> memref<6400xf32, #tpu.memory_space<hbm>>
        %dma_start3A_61 = tpu.memref_slice %arg2[%select_n3A_7, %add3A_51] : memref<8x6400000xf32, #tpu.memory_space<hbm>> -> memref<1x6400xf32, #tpu.memory_space<hbm>>
        %dma_start3A_62 = tpu.memref_squeeze %dma_start3A_61 : memref<1x6400xf32, #tpu.memory_space<hbm>> -> memref<6400xf32, #tpu.memory_space<hbm>>
        tpu.enqueue_dma source(%dma_start3A_62 : memref<6400xf32, #tpu.memory_space<hbm>>) target(%arg7 : memref<6400xf32, #tpu.memory_space<vmem>>) target_semaphore(%run_scoped3A : memref<!tpu.dma_semaphore, #tpu.memory_space<semaphore_mem>>)
        %dma_wait3A = tpu.memref_slice %arg2[%select_n3A_7, %add3A_51] : memref<8x6400000xf32, #tpu.memory_space<hbm>> -> memref<1x6400xf32, #tpu.memory_space<hbm>>
        %dma_wait3A_63 = tpu.memref_squeeze %dma_wait3A : memref<1x6400xf32, #tpu.memory_space<hbm>> -> memref<6400xf32, #tpu.memory_space<hbm>>
        %dma_wait3A_64 = tpu.memref_slice %arg2[%select_n3A_7, %add3A_51] : memref<8x6400000xf32, #tpu.memory_space<hbm>> -> memref<1x6400xf32, #tpu.memory_space<hbm>>
        %dma_wait3A_65 = tpu.memref_squeeze %dma_wait3A_64 : memref<1x6400xf32, #tpu.memory_space<hbm>> -> memref<6400xf32, #tpu.memory_space<hbm>>
        tpu.wait_dma2 semaphore(%run_scoped3A : memref<!tpu.dma_semaphore, #tpu.memory_space<semaphore_mem>>) src(%dma_wait3A_65 : memref<6400xf32, #tpu.memory_space<hbm>>) dst(%arg7 : memref<6400xf32, #tpu.memory_space<vmem>>)
        tpu.yield
      }) : () -> ()
      %scan3A_52 = arith.constant 0 : i32
      %scan3A_53 = arith.constant 0 : i32
      %scan3A_54 = arith.constant 400 : i32
      %scan3A_55 = arith.addi %scan3A_53, %scan3A_54 : i32
      %scan3A_56 = arith.constant 1 : i32
      %scan3A_57 = scf.for %scan3A_60 = %scan3A_53 to %scan3A_55 step %scan3A_56 iter_args(%scan3A_61 = %scan3A_52) -> (i32)  : i32 {
        %mul3A_62 = arith.constant 16 : i32
        %mul3A_63 = arith.muli %scan3A_60, %mul3A_62 : i32
        %get3A = arith.index_cast %mul3A_63 : i32 to index
        %get3A_64 = tpu.vector_load %arg6[%get3A] {strides = array<i32>} : memref<6400xi32, #tpu.memory_space<vmem>>, vector<16xi32>,
        %mul3A_65 = arith.constant 16 : i32
        %mul3A_66 = arith.muli %scan3A_60, %mul3A_65 : i32
        %get3A_67 = arith.index_cast %mul3A_66 : i32 to index
        %get3A_68 = tpu.vector_load %arg7[%get3A_67] {strides = array<i32>} : memref<6400xf32, #tpu.memory_space<vmem>>, vector<16xf32>,
        %masked_sort3A = arith.constant dense<true> : vector<16xi1>
        %masked_sort3A_69, %masked_sort3A_70, %masked_sort3A_71 = tpu.sort %get3A_68, %get3A_64 masked %masked_sort3A : (vector<16xf32>, vector<16xi32>, vector<16xi1>) -> (vector<16xi1>, vector<16xf32>, vector<16xi32>)
        %broadcast_in_dim3A_72 = arith.constant true
        %broadcast_in_dim3A_73 = vector.broadcast %broadcast_in_dim3A_72 : i1 to vector<16xi1>
        %unique3A, %unique3A_74 = tpu.scan_count mask(%broadcast_in_dim3A_73 : vector<16xi1>) value(%masked_sort3A_71 : vector<16xi32>) : vector<16xi1>, vector<16xi32>
        %gather3A = tpu.vector_load_idx %arg5[%masked_sort3A_71] masked %unique3A : memref<100000xf32, #tpu.memory_space<vmem>>[vector<16xi32>], vector<16xf32>, vector<16xi1>
        %max3A = arith.maximumf %gather3A, %masked_sort3A_70 : vector<16xf32>
        tpu.vector_store_idx %arg5[%masked_sort3A_71], %max3A masked %unique3A : memref<100000xf32, #tpu.memory_space<vmem>>[vector<16xi32>], vector<16xf32>, vector<16xi1>
        %scan3A_75 = arith.constant 0 : i32
        scf.yield %scan3A_75 : i32
      }
      %scan3A_58 = arith.constant 400 : i32
      %scan3A_59 = arith.constant 0 : i32
      scf.yield %scan3A_59 : i32
    }
    %scan3A_46 = arith.constant 250 : i32
    "tpu.region"() ({
      %run_scoped3A = tpu.sem_alloc : memref<!tpu.dma_semaphore, #tpu.memory_space<semaphore_mem>>
      %dma_start3A = arith.constant 0 : i32
      %dma_start3A_47 = tpu.memref_slice %arg4[%add3A_30, %select_n3A_7, %dma_start3A] : memref<4x8x100000xf32, #tpu.memory_space<hbm>> -> memref<1x1x100000xf32, #tpu.memory_space<hbm>>
      %dma_start3A_48 = tpu.memref_squeeze %dma_start3A_47 : memref<1x1x100000xf32, #tpu.memory_space<hbm>> -> memref<100000xf32, #tpu.memory_space<hbm>>
      %dma_start3A_49 = arith.constant 0 : i32
      %dma_start3A_50 = tpu.memref_slice %arg4[%add3A_30, %select_n3A_7, %dma_start3A_49] : memref<4x8x100000xf32, #tpu.memory_space<hbm>> -> memref<1x1x100000xf32, #tpu.memory_space<hbm>>
      %dma_start3A_51 = tpu.memref_squeeze %dma_start3A_50 : memref<1x1x100000xf32, #tpu.memory_space<hbm>> -> memref<100000xf32, #tpu.memory_space<hbm>>
      tpu.enqueue_dma source(%arg5 : memref<100000xf32, #tpu.memory_space<vmem>>) target(%dma_start3A_51 : memref<100000xf32, #tpu.memory_space<hbm>>) target_semaphore(%run_scoped3A : memref<!tpu.dma_semaphore, #tpu.memory_space<semaphore_mem>>)
      %dma_wait3A = arith.constant 0 : i32
      %dma_wait3A_52 = tpu.memref_slice %arg4[%add3A_30, %select_n3A_7, %dma_wait3A] : memref<4x8x100000xf32, #tpu.memory_space<hbm>> -> memref<1x1x100000xf32, #tpu.memory_space<hbm>>
      %dma_wait3A_53 = tpu.memref_squeeze %dma_wait3A_52 : memref<1x1x100000xf32, #tpu.memory_space<hbm>> -> memref<100000xf32, #tpu.memory_space<hbm>>
      %dma_wait3A_54 = arith.constant 0 : i32
      %dma_wait3A_55 = tpu.memref_slice %arg4[%add3A_30, %select_n3A_7, %dma_wait3A_54] : memref<4x8x100000xf32, #tpu.memory_space<hbm>> -> memref<1x1x100000xf32, #tpu.memory_space<hbm>>
      %dma_wait3A_56 = tpu.memref_squeeze %dma_wait3A_55 : memref<1x1x100000xf32, #tpu.memory_space<hbm>> -> memref<100000xf32, #tpu.memory_space<hbm>>
      tpu.wait_dma2 semaphore(%run_scoped3A : memref<!tpu.dma_semaphore, #tpu.memory_space<semaphore_mem>>) src(%arg5 : memref<100000xf32, #tpu.memory_space<vmem>>) dst(%dma_wait3A_56 : memref<100000xf32, #tpu.memory_space<hbm>>)
      tpu.yield
    }) : () -> ()
    return
  }
}

#map = affine_map<(d0, d1) -> (0, 0)>
#map1 = affine_map<(d0, d1) -> (0)>
#map2 = affine_map<(d0, d1) -> (0, 0, 0)>
module attributes {stable_mosaic.version = 14 : i64} {
  func.func @k3a(%arg0: i32, %arg1: i32, %arg2: memref<8x6400000xf32, #tpu.memory_space<hbm>>, %arg3: memref<6400000xi32, #tpu.memory_space<hbm>>, %arg4: memref<4x8x100000xf32, #tpu.memory_space<hbm>>, %arg5: memref<8x6400000xf32, #tpu.memory_space<hbm>>, %arg6: memref<100000xf32, #tpu.memory_space<vmem>>, %arg7: memref<4x2000xf32, #tpu.memory_space<vmem>>, %arg8: memref<6400xi32, #tpu.memory_space<vmem>>, %arg9: memref<6400xf32, #tpu.memory_space<vmem>>, %arg10: memref<6400xf32, #tpu.memory_space<vmem>>) attributes {dimension_semantics = [#tpu.dimension_semantics<core_parallel>, #tpu.dimension_semantics<subcore_parallel>], iteration_bounds = array<i64: 2, 16>, scalar_prefetch = 0 : i64, scratch_operands = 5 : i64, tpu.core_type = #tpu.core_type<sc_vector_subcore>, window_params = [{transform_indices = #map}, {transform_indices = #map1}, {transform_indices = #map2}, {transform_indices = #map}]} {
    %jit3A = arith.constant 8 : i32
    %eq3A = arith.constant 0 : i32
    %eq3A_0 = arith.cmpi eq, %jit3A, %eq3A : i32
    %jit3A_1 = arith.constant 1 : i32
    %select_n3A = arith.select %eq3A_0, %jit3A_1, %jit3A : i32
    %rem3A = arith.remsi %arg1, %select_n3A : i32
    %ne3A = arith.constant 0 : i32
    %ne3A_2 = arith.cmpi ne, %rem3A, %ne3A : i32
    %lt3A = arith.constant 0 : i32
    %lt3A_3 = arith.cmpi slt, %rem3A, %lt3A : i32
    %lt3A_4 = arith.constant 0 : i32
    %lt3A_5 = arith.cmpi slt, %select_n3A, %lt3A_4 : i32
    %ne3A_6 = arith.xori %lt3A_3, %lt3A_5 : i1
    %and3A = arith.andi %ne3A_6, %ne3A_2 : i1
    %add3A = arith.addi %rem3A, %select_n3A : i32
    %select_n3A_7 = arith.select %and3A, %add3A, %rem3A : i32
    %jit3A_8 = arith.constant 8 : i32
    %div3A = arith.divsi %arg1, %jit3A_8 : i32
    %sign3A = arith.constant 0 : i32
    %sign3A_9 = arith.cmpi sgt, %arg1, %sign3A : i32
    %sign3A_10 = arith.extui %sign3A_9 : i1 to i32
    %sign3A_11 = arith.constant 0 : i32
    %sign3A_12 = arith.cmpi slt, %arg1, %sign3A_11 : i32
    %sign3A_13 = arith.extui %sign3A_12 : i1 to i32
    %sign3A_14 = arith.subi %sign3A_10, %sign3A_13 : i32
    %sign3A_15 = arith.constant 0 : i32
    %sign3A_16 = arith.cmpi sgt, %jit3A_8, %sign3A_15 : i32
    %sign3A_17 = arith.extui %sign3A_16 : i1 to i32
    %sign3A_18 = arith.constant 0 : i32
    %sign3A_19 = arith.cmpi slt, %jit3A_8, %sign3A_18 : i32
    %sign3A_20 = arith.extui %sign3A_19 : i1 to i32
    %sign3A_21 = arith.subi %sign3A_17, %sign3A_20 : i32
    %ne3A_22 = arith.cmpi ne, %sign3A_14, %sign3A_21 : i32
    %rem3A_23 = arith.remsi %arg1, %jit3A_8 : i32
    %ne3A_24 = arith.constant 0 : i32
    %ne3A_25 = arith.cmpi ne, %rem3A_23, %ne3A_24 : i32
    %and3A_26 = arith.andi %ne3A_22, %ne3A_25 : i1
    %sub3A = arith.constant 1 : i32
    %sub3A_27 = arith.subi %div3A, %sub3A : i32
    %select_n3A_28 = arith.select %and3A_26, %sub3A_27, %div3A : i32
    %mul3A = arith.constant 2 : i32
    %mul3A_29 = arith.muli %select_n3A_28, %mul3A : i32
    %add3A_30 = arith.addi %mul3A_29, %arg0 : i32
    %mul3A_31 = arith.constant 1600000 : i32
    %mul3A_32 = arith.muli %add3A_30, %mul3A_31 : i32
    %scan3A = arith.constant 0 : i32
    %scan3A_33 = arith.constant 0 : i32
    %scan3A_34 = arith.constant 50 : i32
    %scan3A_35 = arith.addi %scan3A_33, %scan3A_34 : i32
    %scan3A_36 = arith.constant 1 : i32
    %scan3A_37 = scf.for %scan3A_46 = %scan3A_33 to %scan3A_35 step %scan3A_36 iter_args(%scan3A_47 = %scan3A) -> (i32)  : i32 {
      %mul3A_48 = arith.constant 2000 : i32
      %mul3A_49 = arith.muli %scan3A_46, %mul3A_48 : i32
      %run_scoped3A = arith.constant 0 : i32
      %run_scoped3A_50 = arith.constant 0 : i32
      "tpu.region"() ({
        %run_scoped3A_65 = tpu.sem_alloc : memref<!tpu.dma_semaphore, #tpu.memory_space<semaphore_mem>>
        %dma_start3A = arith.constant 0 : i32
        %dma_start3A_66 = tpu.memref_slice %arg7[%run_scoped3A_50, %dma_start3A] : memref<4x2000xf32, #tpu.memory_space<vmem>> -> memref<1x2000xf32, #tpu.memory_space<vmem>>
        %dma_start3A_67 = tpu.memref_squeeze %dma_start3A_66 : memref<1x2000xf32, #tpu.memory_space<vmem>> -> memref<2000xf32, #tpu.memory_space<vmem>>
        %dma_start3A_68 = tpu.memref_slice %arg4[%run_scoped3A, %select_n3A_7, %mul3A_49] : memref<4x8x100000xf32, #tpu.memory_space<hbm>> -> memref<1x1x2000xf32, #tpu.memory_space<hbm>>
        %dma_start3A_69 = tpu.memref_squeeze %dma_start3A_68 : memref<1x1x2000xf32, #tpu.memory_space<hbm>> -> memref<2000xf32, #tpu.memory_space<hbm>>
        %dma_start3A_70 = arith.constant 0 : i32
        %dma_start3A_71 = tpu.memref_slice %arg7[%run_scoped3A_50, %dma_start3A_70] : memref<4x2000xf32, #tpu.memory_space<vmem>> -> memref<1x2000xf32, #tpu.memory_space<vmem>>
        %dma_start3A_72 = tpu.memref_squeeze %dma_start3A_71 : memref<1x2000xf32, #tpu.memory_space<vmem>> -> memref<2000xf32, #tpu.memory_space<vmem>>
        %dma_start3A_73 = tpu.memref_slice %arg4[%run_scoped3A, %select_n3A_7, %mul3A_49] : memref<4x8x100000xf32, #tpu.memory_space<hbm>> -> memref<1x1x2000xf32, #tpu.memory_space<hbm>>
        %dma_start3A_74 = tpu.memref_squeeze %dma_start3A_73 : memref<1x1x2000xf32, #tpu.memory_space<hbm>> -> memref<2000xf32, #tpu.memory_space<hbm>>
        tpu.enqueue_dma source(%dma_start3A_74 : memref<2000xf32, #tpu.memory_space<hbm>>) target(%dma_start3A_72 : memref<2000xf32, #tpu.memory_space<vmem>>) target_semaphore(%run_scoped3A_65 : memref<!tpu.dma_semaphore, #tpu.memory_space<semaphore_mem>>)
        %dma_wait3A = arith.constant 0 : i32
        %dma_wait3A_75 = tpu.memref_slice %arg7[%run_scoped3A_50, %dma_wait3A] : memref<4x2000xf32, #tpu.memory_space<vmem>> -> memref<1x2000xf32, #tpu.memory_space<vmem>>
        %dma_wait3A_76 = tpu.memref_squeeze %dma_wait3A_75 : memref<1x2000xf32, #tpu.memory_space<vmem>> -> memref<2000xf32, #tpu.memory_space<vmem>>
        %dma_wait3A_77 = tpu.memref_slice %arg4[%run_scoped3A, %select_n3A_7, %mul3A_49] : memref<4x8x100000xf32, #tpu.memory_space<hbm>> -> memref<1x1x2000xf32, #tpu.memory_space<hbm>>
        %dma_wait3A_78 = tpu.memref_squeeze %dma_wait3A_77 : memref<1x1x2000xf32, #tpu.memory_space<hbm>> -> memref<2000xf32, #tpu.memory_space<hbm>>
        %dma_wait3A_79 = arith.constant 0 : i32
        %dma_wait3A_80 = tpu.memref_slice %arg7[%run_scoped3A_50, %dma_wait3A_79] : memref<4x2000xf32, #tpu.memory_space<vmem>> -> memref<1x2000xf32, #tpu.memory_space<vmem>>
        %dma_wait3A_81 = tpu.memref_squeeze %dma_wait3A_80 : memref<1x2000xf32, #tpu.memory_space<vmem>> -> memref<2000xf32, #tpu.memory_space<vmem>>
        %dma_wait3A_82 = tpu.memref_slice %arg4[%run_scoped3A, %select_n3A_7, %mul3A_49] : memref<4x8x100000xf32, #tpu.memory_space<hbm>> -> memref<1x1x2000xf32, #tpu.memory_space<hbm>>
        %dma_wait3A_83 = tpu.memref_squeeze %dma_wait3A_82 : memref<1x1x2000xf32, #tpu.memory_space<hbm>> -> memref<2000xf32, #tpu.memory_space<hbm>>
        tpu.wait_dma2 semaphore(%run_scoped3A_65 : memref<!tpu.dma_semaphore, #tpu.memory_space<semaphore_mem>>) src(%dma_wait3A_83 : memref<2000xf32, #tpu.memory_space<hbm>>) dst(%dma_wait3A_81 : memref<2000xf32, #tpu.memory_space<vmem>>)
        tpu.yield
      }) : () -> ()
      %run_scoped3A_51 = arith.constant 1 : i32
      %run_scoped3A_52 = arith.constant 1 : i32
      "tpu.region"() ({
        %run_scoped3A_65 = tpu.sem_alloc : memref<!tpu.dma_semaphore, #tpu.memory_space<semaphore_mem>>
        %dma_start3A = arith.constant 0 : i32
        %dma_start3A_66 = tpu.memref_slice %arg7[%run_scoped3A_52, %dma_start3A] : memref<4x2000xf32, #tpu.memory_space<vmem>> -> memref<1x2000xf32, #tpu.memory_space<vmem>>
        %dma_start3A_67 = tpu.memref_squeeze %dma_start3A_66 : memref<1x2000xf32, #tpu.memory_space<vmem>> -> memref<2000xf32, #tpu.memory_space<vmem>>
        %dma_start3A_68 = tpu.memref_slice %arg4[%run_scoped3A_51, %select_n3A_7, %mul3A_49] : memref<4x8x100000xf32, #tpu.memory_space<hbm>> -> memref<1x1x2000xf32, #tpu.memory_space<hbm>>
        %dma_start3A_69 = tpu.memref_squeeze %dma_start3A_68 : memref<1x1x2000xf32, #tpu.memory_space<hbm>> -> memref<2000xf32, #tpu.memory_space<hbm>>
        %dma_start3A_70 = arith.constant 0 : i32
        %dma_start3A_71 = tpu.memref_slice %arg7[%run_scoped3A_52, %dma_start3A_70] : memref<4x2000xf32, #tpu.memory_space<vmem>> -> memref<1x2000xf32, #tpu.memory_space<vmem>>
        %dma_start3A_72 = tpu.memref_squeeze %dma_start3A_71 : memref<1x2000xf32, #tpu.memory_space<vmem>> -> memref<2000xf32, #tpu.memory_space<vmem>>
        %dma_start3A_73 = tpu.memref_slice %arg4[%run_scoped3A_51, %select_n3A_7, %mul3A_49] : memref<4x8x100000xf32, #tpu.memory_space<hbm>> -> memref<1x1x2000xf32, #tpu.memory_space<hbm>>
        %dma_start3A_74 = tpu.memref_squeeze %dma_start3A_73 : memref<1x1x2000xf32, #tpu.memory_space<hbm>> -> memref<2000xf32, #tpu.memory_space<hbm>>
        tpu.enqueue_dma source(%dma_start3A_74 : memref<2000xf32, #tpu.memory_space<hbm>>) target(%dma_start3A_72 : memref<2000xf32, #tpu.memory_space<vmem>>) target_semaphore(%run_scoped3A_65 : memref<!tpu.dma_semaphore, #tpu.memory_space<semaphore_mem>>)
        %dma_wait3A = arith.constant 0 : i32
        %dma_wait3A_75 = tpu.memref_slice %arg7[%run_scoped3A_52, %dma_wait3A] : memref<4x2000xf32, #tpu.memory_space<vmem>> -> memref<1x2000xf32, #tpu.memory_space<vmem>>
        %dma_wait3A_76 = tpu.memref_squeeze %dma_wait3A_75 : memref<1x2000xf32, #tpu.memory_space<vmem>> -> memref<2000xf32, #tpu.memory_space<vmem>>
        %dma_wait3A_77 = tpu.memref_slice %arg4[%run_scoped3A_51, %select_n3A_7, %mul3A_49] : memref<4x8x100000xf32, #tpu.memory_space<hbm>> -> memref<1x1x2000xf32, #tpu.memory_space<hbm>>
        %dma_wait3A_78 = tpu.memref_squeeze %dma_wait3A_77 : memref<1x1x2000xf32, #tpu.memory_space<hbm>> -> memref<2000xf32, #tpu.memory_space<hbm>>
        %dma_wait3A_79 = arith.constant 0 : i32
        %dma_wait3A_80 = tpu.memref_slice %arg7[%run_scoped3A_52, %dma_wait3A_79] : memref<4x2000xf32, #tpu.memory_space<vmem>> -> memref<1x2000xf32, #tpu.memory_space<vmem>>
        %dma_wait3A_81 = tpu.memref_squeeze %dma_wait3A_80 : memref<1x2000xf32, #tpu.memory_space<vmem>> -> memref<2000xf32, #tpu.memory_space<vmem>>
        %dma_wait3A_82 = tpu.memref_slice %arg4[%run_scoped3A_51, %select_n3A_7, %mul3A_49] : memref<4x8x100000xf32, #tpu.memory_space<hbm>> -> memref<1x1x2000xf32, #tpu.memory_space<hbm>>
        %dma_wait3A_83 = tpu.memref_squeeze %dma_wait3A_82 : memref<1x1x2000xf32, #tpu.memory_space<hbm>> -> memref<2000xf32, #tpu.memory_space<hbm>>
        tpu.wait_dma2 semaphore(%run_scoped3A_65 : memref<!tpu.dma_semaphore, #tpu.memory_space<semaphore_mem>>) src(%dma_wait3A_83 : memref<2000xf32, #tpu.memory_space<hbm>>) dst(%dma_wait3A_81 : memref<2000xf32, #tpu.memory_space<vmem>>)
        tpu.yield
      }) : () -> ()
      %run_scoped3A_53 = arith.constant 2 : i32
      %run_scoped3A_54 = arith.constant 2 : i32
      "tpu.region"() ({
        %run_scoped3A_65 = tpu.sem_alloc : memref<!tpu.dma_semaphore, #tpu.memory_space<semaphore_mem>>
        %dma_start3A = arith.constant 0 : i32
        %dma_start3A_66 = tpu.memref_slice %arg7[%run_scoped3A_54, %dma_start3A] : memref<4x2000xf32, #tpu.memory_space<vmem>> -> memref<1x2000xf32, #tpu.memory_space<vmem>>
        %dma_start3A_67 = tpu.memref_squeeze %dma_start3A_66 : memref<1x2000xf32, #tpu.memory_space<vmem>> -> memref<2000xf32, #tpu.memory_space<vmem>>
        %dma_start3A_68 = tpu.memref_slice %arg4[%run_scoped3A_53, %select_n3A_7, %mul3A_49] : memref<4x8x100000xf32, #tpu.memory_space<hbm>> -> memref<1x1x2000xf32, #tpu.memory_space<hbm>>
        %dma_start3A_69 = tpu.memref_squeeze %dma_start3A_68 : memref<1x1x2000xf32, #tpu.memory_space<hbm>> -> memref<2000xf32, #tpu.memory_space<hbm>>
        %dma_start3A_70 = arith.constant 0 : i32
        %dma_start3A_71 = tpu.memref_slice %arg7[%run_scoped3A_54, %dma_start3A_70] : memref<4x2000xf32, #tpu.memory_space<vmem>> -> memref<1x2000xf32, #tpu.memory_space<vmem>>
        %dma_start3A_72 = tpu.memref_squeeze %dma_start3A_71 : memref<1x2000xf32, #tpu.memory_space<vmem>> -> memref<2000xf32, #tpu.memory_space<vmem>>
        %dma_start3A_73 = tpu.memref_slice %arg4[%run_scoped3A_53, %select_n3A_7, %mul3A_49] : memref<4x8x100000xf32, #tpu.memory_space<hbm>> -> memref<1x1x2000xf32, #tpu.memory_space<hbm>>
        %dma_start3A_74 = tpu.memref_squeeze %dma_start3A_73 : memref<1x1x2000xf32, #tpu.memory_space<hbm>> -> memref<2000xf32, #tpu.memory_space<hbm>>
        tpu.enqueue_dma source(%dma_start3A_74 : memref<2000xf32, #tpu.memory_space<hbm>>) target(%dma_start3A_72 : memref<2000xf32, #tpu.memory_space<vmem>>) target_semaphore(%run_scoped3A_65 : memref<!tpu.dma_semaphore, #tpu.memory_space<semaphore_mem>>)
        %dma_wait3A = arith.constant 0 : i32
        %dma_wait3A_75 = tpu.memref_slice %arg7[%run_scoped3A_54, %dma_wait3A] : memref<4x2000xf32, #tpu.memory_space<vmem>> -> memref<1x2000xf32, #tpu.memory_space<vmem>>
        %dma_wait3A_76 = tpu.memref_squeeze %dma_wait3A_75 : memref<1x2000xf32, #tpu.memory_space<vmem>> -> memref<2000xf32, #tpu.memory_space<vmem>>
        %dma_wait3A_77 = tpu.memref_slice %arg4[%run_scoped3A_53, %select_n3A_7, %mul3A_49] : memref<4x8x100000xf32, #tpu.memory_space<hbm>> -> memref<1x1x2000xf32, #tpu.memory_space<hbm>>
        %dma_wait3A_78 = tpu.memref_squeeze %dma_wait3A_77 : memref<1x1x2000xf32, #tpu.memory_space<hbm>> -> memref<2000xf32, #tpu.memory_space<hbm>>
        %dma_wait3A_79 = arith.constant 0 : i32
        %dma_wait3A_80 = tpu.memref_slice %arg7[%run_scoped3A_54, %dma_wait3A_79] : memref<4x2000xf32, #tpu.memory_space<vmem>> -> memref<1x2000xf32, #tpu.memory_space<vmem>>
        %dma_wait3A_81 = tpu.memref_squeeze %dma_wait3A_80 : memref<1x2000xf32, #tpu.memory_space<vmem>> -> memref<2000xf32, #tpu.memory_space<vmem>>
        %dma_wait3A_82 = tpu.memref_slice %arg4[%run_scoped3A_53, %select_n3A_7, %mul3A_49] : memref<4x8x100000xf32, #tpu.memory_space<hbm>> -> memref<1x1x2000xf32, #tpu.memory_space<hbm>>
        %dma_wait3A_83 = tpu.memref_squeeze %dma_wait3A_82 : memref<1x1x2000xf32, #tpu.memory_space<hbm>> -> memref<2000xf32, #tpu.memory_space<hbm>>
        tpu.wait_dma2 semaphore(%run_scoped3A_65 : memref<!tpu.dma_semaphore, #tpu.memory_space<semaphore_mem>>) src(%dma_wait3A_83 : memref<2000xf32, #tpu.memory_space<hbm>>) dst(%dma_wait3A_81 : memref<2000xf32, #tpu.memory_space<vmem>>)
        tpu.yield
      }) : () -> ()
      %run_scoped3A_55 = arith.constant 3 : i32
      %run_scoped3A_56 = arith.constant 3 : i32
      "tpu.region"() ({
        %run_scoped3A_65 = tpu.sem_alloc : memref<!tpu.dma_semaphore, #tpu.memory_space<semaphore_mem>>
        %dma_start3A = arith.constant 0 : i32
        %dma_start3A_66 = tpu.memref_slice %arg7[%run_scoped3A_56, %dma_start3A] : memref<4x2000xf32, #tpu.memory_space<vmem>> -> memref<1x2000xf32, #tpu.memory_space<vmem>>
        %dma_start3A_67 = tpu.memref_squeeze %dma_start3A_66 : memref<1x2000xf32, #tpu.memory_space<vmem>> -> memref<2000xf32, #tpu.memory_space<vmem>>
        %dma_start3A_68 = tpu.memref_slice %arg4[%run_scoped3A_55, %select_n3A_7, %mul3A_49] : memref<4x8x100000xf32, #tpu.memory_space<hbm>> -> memref<1x1x2000xf32, #tpu.memory_space<hbm>>
        %dma_start3A_69 = tpu.memref_squeeze %dma_start3A_68 : memref<1x1x2000xf32, #tpu.memory_space<hbm>> -> memref<2000xf32, #tpu.memory_space<hbm>>
        %dma_start3A_70 = arith.constant 0 : i32
        %dma_start3A_71 = tpu.memref_slice %arg7[%run_scoped3A_56, %dma_start3A_70] : memref<4x2000xf32, #tpu.memory_space<vmem>> -> memref<1x2000xf32, #tpu.memory_space<vmem>>
        %dma_start3A_72 = tpu.memref_squeeze %dma_start3A_71 : memref<1x2000xf32, #tpu.memory_space<vmem>> -> memref<2000xf32, #tpu.memory_space<vmem>>
        %dma_start3A_73 = tpu.memref_slice %arg4[%run_scoped3A_55, %select_n3A_7, %mul3A_49] : memref<4x8x100000xf32, #tpu.memory_space<hbm>> -> memref<1x1x2000xf32, #tpu.memory_space<hbm>>
        %dma_start3A_74 = tpu.memref_squeeze %dma_start3A_73 : memref<1x1x2000xf32, #tpu.memory_space<hbm>> -> memref<2000xf32, #tpu.memory_space<hbm>>
        tpu.enqueue_dma source(%dma_start3A_74 : memref<2000xf32, #tpu.memory_space<hbm>>) target(%dma_start3A_72 : memref<2000xf32, #tpu.memory_space<vmem>>) target_semaphore(%run_scoped3A_65 : memref<!tpu.dma_semaphore, #tpu.memory_space<semaphore_mem>>)
        %dma_wait3A = arith.constant 0 : i32
        %dma_wait3A_75 = tpu.memref_slice %arg7[%run_scoped3A_56, %dma_wait3A] : memref<4x2000xf32, #tpu.memory_space<vmem>> -> memref<1x2000xf32, #tpu.memory_space<vmem>>
        %dma_wait3A_76 = tpu.memref_squeeze %dma_wait3A_75 : memref<1x2000xf32, #tpu.memory_space<vmem>> -> memref<2000xf32, #tpu.memory_space<vmem>>
        %dma_wait3A_77 = tpu.memref_slice %arg4[%run_scoped3A_55, %select_n3A_7, %mul3A_49] : memref<4x8x100000xf32, #tpu.memory_space<hbm>> -> memref<1x1x2000xf32, #tpu.memory_space<hbm>>
        %dma_wait3A_78 = tpu.memref_squeeze %dma_wait3A_77 : memref<1x1x2000xf32, #tpu.memory_space<hbm>> -> memref<2000xf32, #tpu.memory_space<hbm>>
        %dma_wait3A_79 = arith.constant 0 : i32
        %dma_wait3A_80 = tpu.memref_slice %arg7[%run_scoped3A_56, %dma_wait3A_79] : memref<4x2000xf32, #tpu.memory_space<vmem>> -> memref<1x2000xf32, #tpu.memory_space<vmem>>
        %dma_wait3A_81 = tpu.memref_squeeze %dma_wait3A_80 : memref<1x2000xf32, #tpu.memory_space<vmem>> -> memref<2000xf32, #tpu.memory_space<vmem>>
        %dma_wait3A_82 = tpu.memref_slice %arg4[%run_scoped3A_55, %select_n3A_7, %mul3A_49] : memref<4x8x100000xf32, #tpu.memory_space<hbm>> -> memref<1x1x2000xf32, #tpu.memory_space<hbm>>
        %dma_wait3A_83 = tpu.memref_squeeze %dma_wait3A_82 : memref<1x1x2000xf32, #tpu.memory_space<hbm>> -> memref<2000xf32, #tpu.memory_space<hbm>>
        tpu.wait_dma2 semaphore(%run_scoped3A_65 : memref<!tpu.dma_semaphore, #tpu.memory_space<semaphore_mem>>) src(%dma_wait3A_83 : memref<2000xf32, #tpu.memory_space<hbm>>) dst(%dma_wait3A_81 : memref<2000xf32, #tpu.memory_space<vmem>>)
        tpu.yield
      }) : () -> ()
      %scan3A_57 = arith.constant 0 : i32
      %scan3A_58 = arith.constant 0 : i32
      %scan3A_59 = arith.constant 125 : i32
      %scan3A_60 = arith.addi %scan3A_58, %scan3A_59 : i32
      %scan3A_61 = arith.constant 1 : i32
      %scan3A_62 = scf.for %scan3A_65 = %scan3A_58 to %scan3A_60 step %scan3A_61 iter_args(%scan3A_66 = %scan3A_57) -> (i32)  : i32 {
        %mul3A_67 = arith.constant 16 : i32
        %mul3A_68 = arith.muli %scan3A_65, %mul3A_67 : i32
        %get3A = arith.constant 0 : i32
        %get3A_69 = arith.index_cast %get3A : i32 to index
        %get3A_70 = arith.index_cast %mul3A_68 : i32 to index
        %get3A_71 = tpu.vector_load %arg7[%get3A_69, %get3A_70] {strides = array<i32>} : memref<4x2000xf32, #tpu.memory_space<vmem>>, vector<16xf32>,
        %mul3A_72 = arith.constant 16 : i32
        %mul3A_73 = arith.muli %scan3A_65, %mul3A_72 : i32
        %get3A_74 = arith.constant 1 : i32
        %get3A_75 = arith.index_cast %get3A_74 : i32 to index
        %get3A_76 = arith.index_cast %mul3A_73 : i32 to index
        %get3A_77 = tpu.vector_load %arg7[%get3A_75, %get3A_76] {strides = array<i32>} : memref<4x2000xf32, #tpu.memory_space<vmem>>, vector<16xf32>,
        %max3A = arith.maximumf %get3A_71, %get3A_77 : vector<16xf32>
        %mul3A_78 = arith.constant 16 : i32
        %mul3A_79 = arith.muli %scan3A_65, %mul3A_78 : i32
        %get3A_80 = arith.constant 2 : i32
        %get3A_81 = arith.index_cast %get3A_80 : i32 to index
        %get3A_82 = arith.index_cast %mul3A_79 : i32 to index
        %get3A_83 = tpu.vector_load %arg7[%get3A_81, %get3A_82] {strides = array<i32>} : memref<4x2000xf32, #tpu.memory_space<vmem>>, vector<16xf32>,
        %max3A_84 = arith.maximumf %max3A, %get3A_83 : vector<16xf32>
        %mul3A_85 = arith.constant 16 : i32
        %mul3A_86 = arith.muli %scan3A_65, %mul3A_85 : i32
        %get3A_87 = arith.constant 3 : i32
        %get3A_88 = arith.index_cast %get3A_87 : i32 to index
        %get3A_89 = arith.index_cast %mul3A_86 : i32 to index
        %get3A_90 = tpu.vector_load %arg7[%get3A_88, %get3A_89] {strides = array<i32>} : memref<4x2000xf32, #tpu.memory_space<vmem>>, vector<16xf32>,
        %max3A_91 = arith.maximumf %max3A_84, %get3A_90 : vector<16xf32>
        %mul3A_92 = arith.constant 16 : i32
        %mul3A_93 = arith.muli %scan3A_65, %mul3A_92 : i32
        %add3A_94 = arith.addi %mul3A_49, %mul3A_93 : i32
        %swap3A = arith.index_cast %add3A_94 : i32 to index
        %swap3A_95 = tpu.vector_load %arg6[%swap3A] {strides = array<i32>} : memref<100000xf32, #tpu.memory_space<vmem>>, vector<16xf32>,
        tpu.vector_store %arg6[%swap3A], %max3A_91 {strides = array<i32>} : memref<100000xf32, #tpu.memory_space<vmem>>, vector<16xf32>,
        %scan3A_96 = arith.constant 0 : i32
        scf.yield %scan3A_96 : i32
      }
      %scan3A_63 = arith.constant 125 : i32
      %scan3A_64 = arith.constant 0 : i32
      scf.yield %scan3A_64 : i32
    }
    %scan3A_38 = arith.constant 50 : i32
    %scan3A_39 = arith.constant 0 : i32
    %scan3A_40 = arith.constant 0 : i32
    %scan3A_41 = arith.constant 250 : i32
    %scan3A_42 = arith.addi %scan3A_40, %scan3A_41 : i32
    %scan3A_43 = arith.constant 1 : i32
    %scan3A_44 = scf.for %scan3A_46 = %scan3A_40 to %scan3A_42 step %scan3A_43 iter_args(%scan3A_47 = %scan3A_39) -> (i32)  : i32 {
      %mul3A_48 = arith.constant 6400 : i32
      %mul3A_49 = arith.muli %scan3A_46, %mul3A_48 : i32
      %add3A_50 = arith.addi %mul3A_32, %mul3A_49 : i32
      "tpu.region"() ({
        %run_scoped3A = tpu.sem_alloc : memref<!tpu.dma_semaphore, #tpu.memory_space<semaphore_mem>>
        %dma_start3A = tpu.memref_slice %arg3[%add3A_50] : memref<6400000xi32, #tpu.memory_space<hbm>> -> memref<6400xi32, #tpu.memory_space<hbm>>
        %dma_start3A_59 = tpu.memref_slice %arg3[%add3A_50] : memref<6400000xi32, #tpu.memory_space<hbm>> -> memref<6400xi32, #tpu.memory_space<hbm>>
        tpu.enqueue_dma source(%dma_start3A_59 : memref<6400xi32, #tpu.memory_space<hbm>>) target(%arg8 : memref<6400xi32, #tpu.memory_space<vmem>>) target_semaphore(%run_scoped3A : memref<!tpu.dma_semaphore, #tpu.memory_space<semaphore_mem>>)
        %dma_wait3A = tpu.memref_slice %arg3[%add3A_50] : memref<6400000xi32, #tpu.memory_space<hbm>> -> memref<6400xi32, #tpu.memory_space<hbm>>
        %dma_wait3A_60 = tpu.memref_slice %arg3[%add3A_50] : memref<6400000xi32, #tpu.memory_space<hbm>> -> memref<6400xi32, #tpu.memory_space<hbm>>
        tpu.wait_dma2 semaphore(%run_scoped3A : memref<!tpu.dma_semaphore, #tpu.memory_space<semaphore_mem>>) src(%dma_wait3A_60 : memref<6400xi32, #tpu.memory_space<hbm>>) dst(%arg8 : memref<6400xi32, #tpu.memory_space<vmem>>)
        tpu.yield
      }) : () -> ()
      "tpu.region"() ({
        %run_scoped3A = tpu.sem_alloc : memref<!tpu.dma_semaphore, #tpu.memory_space<semaphore_mem>>
        %dma_start3A = tpu.memref_slice %arg2[%select_n3A_7, %add3A_50] : memref<8x6400000xf32, #tpu.memory_space<hbm>> -> memref<1x6400xf32, #tpu.memory_space<hbm>>
        %dma_start3A_59 = tpu.memref_squeeze %dma_start3A : memref<1x6400xf32, #tpu.memory_space<hbm>> -> memref<6400xf32, #tpu.memory_space<hbm>>
        %dma_start3A_60 = tpu.memref_slice %arg2[%select_n3A_7, %add3A_50] : memref<8x6400000xf32, #tpu.memory_space<hbm>> -> memref<1x6400xf32, #tpu.memory_space<hbm>>
        %dma_start3A_61 = tpu.memref_squeeze %dma_start3A_60 : memref<1x6400xf32, #tpu.memory_space<hbm>> -> memref<6400xf32, #tpu.memory_space<hbm>>
        tpu.enqueue_dma source(%dma_start3A_61 : memref<6400xf32, #tpu.memory_space<hbm>>) target(%arg9 : memref<6400xf32, #tpu.memory_space<vmem>>) target_semaphore(%run_scoped3A : memref<!tpu.dma_semaphore, #tpu.memory_space<semaphore_mem>>)
        %dma_wait3A = tpu.memref_slice %arg2[%select_n3A_7, %add3A_50] : memref<8x6400000xf32, #tpu.memory_space<hbm>> -> memref<1x6400xf32, #tpu.memory_space<hbm>>
        %dma_wait3A_62 = tpu.memref_squeeze %dma_wait3A : memref<1x6400xf32, #tpu.memory_space<hbm>> -> memref<6400xf32, #tpu.memory_space<hbm>>
        %dma_wait3A_63 = tpu.memref_slice %arg2[%select_n3A_7, %add3A_50] : memref<8x6400000xf32, #tpu.memory_space<hbm>> -> memref<1x6400xf32, #tpu.memory_space<hbm>>
        %dma_wait3A_64 = tpu.memref_squeeze %dma_wait3A_63 : memref<1x6400xf32, #tpu.memory_space<hbm>> -> memref<6400xf32, #tpu.memory_space<hbm>>
        tpu.wait_dma2 semaphore(%run_scoped3A : memref<!tpu.dma_semaphore, #tpu.memory_space<semaphore_mem>>) src(%dma_wait3A_64 : memref<6400xf32, #tpu.memory_space<hbm>>) dst(%arg9 : memref<6400xf32, #tpu.memory_space<vmem>>)
        tpu.yield
      }) : () -> ()
      %scan3A_51 = arith.constant 0 : i32
      %scan3A_52 = arith.constant 0 : i32
      %scan3A_53 = arith.constant 400 : i32
      %scan3A_54 = arith.addi %scan3A_52, %scan3A_53 : i32
      %scan3A_55 = arith.constant 1 : i32
      %scan3A_56 = scf.for %scan3A_59 = %scan3A_52 to %scan3A_54 step %scan3A_55 iter_args(%scan3A_60 = %scan3A_51) -> (i32)  : i32 {
        %mul3A_61 = arith.constant 16 : i32
        %mul3A_62 = arith.muli %scan3A_59, %mul3A_61 : i32
        %get3A = arith.index_cast %mul3A_62 : i32 to index
        %get3A_63 = tpu.vector_load %arg8[%get3A] {strides = array<i32>} : memref<6400xi32, #tpu.memory_space<vmem>>, vector<16xi32>,
        %mul3A_64 = arith.constant 16 : i32
        %mul3A_65 = arith.muli %scan3A_59, %mul3A_64 : i32
        %get3A_66 = arith.index_cast %mul3A_65 : i32 to index
        %get3A_67 = tpu.vector_load %arg9[%get3A_66] {strides = array<i32>} : memref<6400xf32, #tpu.memory_space<vmem>>, vector<16xf32>,
        %gather3A = tpu.vector_load_idx %arg6[%get3A_63] : memref<100000xf32, #tpu.memory_space<vmem>>[vector<16xi32>], vector<16xf32>,
        %sub3A_68 = arith.subf %get3A_67, %gather3A : vector<16xf32>
        %exp3A = math.exp %sub3A_68 : vector<16xf32>
        %mul3A_69 = arith.constant 16 : i32
        %mul3A_70 = arith.muli %scan3A_59, %mul3A_69 : i32
        %swap3A = arith.index_cast %mul3A_70 : i32 to index
        %swap3A_71 = tpu.vector_load %arg10[%swap3A] {strides = array<i32>} : memref<6400xf32, #tpu.memory_space<vmem>>, vector<16xf32>,
        tpu.vector_store %arg10[%swap3A], %exp3A {strides = array<i32>} : memref<6400xf32, #tpu.memory_space<vmem>>, vector<16xf32>,
        %scan3A_72 = arith.constant 0 : i32
        scf.yield %scan3A_72 : i32
      }
      %scan3A_57 = arith.constant 400 : i32
      "tpu.region"() ({
        %run_scoped3A = tpu.sem_alloc : memref<!tpu.dma_semaphore, #tpu.memory_space<semaphore_mem>>
        %dma_start3A = tpu.memref_slice %arg5[%select_n3A_7, %add3A_50] : memref<8x6400000xf32, #tpu.memory_space<hbm>> -> memref<1x6400xf32, #tpu.memory_space<hbm>>
        %dma_start3A_59 = tpu.memref_squeeze %dma_start3A : memref<1x6400xf32, #tpu.memory_space<hbm>> -> memref<6400xf32, #tpu.memory_space<hbm>>
        %dma_start3A_60 = tpu.memref_slice %arg5[%select_n3A_7, %add3A_50] : memref<8x6400000xf32, #tpu.memory_space<hbm>> -> memref<1x6400xf32, #tpu.memory_space<hbm>>
        %dma_start3A_61 = tpu.memref_squeeze %dma_start3A_60 : memref<1x6400xf32, #tpu.memory_space<hbm>> -> memref<6400xf32, #tpu.memory_space<hbm>>
        tpu.enqueue_dma source(%arg10 : memref<6400xf32, #tpu.memory_space<vmem>>) target(%dma_start3A_61 : memref<6400xf32, #tpu.memory_space<hbm>>) target_semaphore(%run_scoped3A : memref<!tpu.dma_semaphore, #tpu.memory_space<semaphore_mem>>)
        %dma_wait3A = tpu.memref_slice %arg5[%select_n3A_7, %add3A_50] : memref<8x6400000xf32, #tpu.memory_space<hbm>> -> memref<1x6400xf32, #tpu.memory_space<hbm>>
        %dma_wait3A_62 = tpu.memref_squeeze %dma_wait3A : memref<1x6400xf32, #tpu.memory_space<hbm>> -> memref<6400xf32, #tpu.memory_space<hbm>>
        %dma_wait3A_63 = tpu.memref_slice %arg5[%select_n3A_7, %add3A_50] : memref<8x6400000xf32, #tpu.memory_space<hbm>> -> memref<1x6400xf32, #tpu.memory_space<hbm>>
        %dma_wait3A_64 = tpu.memref_squeeze %dma_wait3A_63 : memref<1x6400xf32, #tpu.memory_space<hbm>> -> memref<6400xf32, #tpu.memory_space<hbm>>
        tpu.wait_dma2 semaphore(%run_scoped3A : memref<!tpu.dma_semaphore, #tpu.memory_space<semaphore_mem>>) src(%arg10 : memref<6400xf32, #tpu.memory_space<vmem>>) dst(%dma_wait3A_64 : memref<6400xf32, #tpu.memory_space<hbm>>)
        tpu.yield
      }) : () -> ()
      %scan3A_58 = arith.constant 0 : i32
      scf.yield %scan3A_58 : i32
    }
    %scan3A_45 = arith.constant 250 : i32
    return
  }
}

#map = affine_map<(d0, d1) -> (0, 0)>
#map1 = affine_map<(d0, d1) -> (0)>
#map2 = affine_map<(d0, d1) -> (0, 0, 0)>
module attributes {stable_mosaic.version = 14 : i64} {
  func.func @k3b(%arg0: i32, %arg1: i32, %arg2: memref<8x6400000xf32, #tpu.memory_space<hbm>>, %arg3: memref<6400000xi32, #tpu.memory_space<hbm>>, %arg4: memref<4x8x100000xf32, #tpu.memory_space<hbm>>, %arg5: memref<100000xf32, #tpu.memory_space<vmem>>, %arg6: memref<6400xi32, #tpu.memory_space<vmem>>, %arg7: memref<6400xf32, #tpu.memory_space<vmem>>) attributes {dimension_semantics = [#tpu.dimension_semantics<core_parallel>, #tpu.dimension_semantics<subcore_parallel>], iteration_bounds = array<i64: 2, 16>, scalar_prefetch = 0 : i64, scratch_operands = 3 : i64, tpu.core_type = #tpu.core_type<sc_vector_subcore>, window_params = [{transform_indices = #map}, {transform_indices = #map1}, {transform_indices = #map2}]} {
    %jit3A = arith.constant 8 : i32
    %eq3A = arith.constant 0 : i32
    %eq3A_0 = arith.cmpi eq, %jit3A, %eq3A : i32
    %jit3A_1 = arith.constant 1 : i32
    %select_n3A = arith.select %eq3A_0, %jit3A_1, %jit3A : i32
    %rem3A = arith.remsi %arg1, %select_n3A : i32
    %ne3A = arith.constant 0 : i32
    %ne3A_2 = arith.cmpi ne, %rem3A, %ne3A : i32
    %lt3A = arith.constant 0 : i32
    %lt3A_3 = arith.cmpi slt, %rem3A, %lt3A : i32
    %lt3A_4 = arith.constant 0 : i32
    %lt3A_5 = arith.cmpi slt, %select_n3A, %lt3A_4 : i32
    %ne3A_6 = arith.xori %lt3A_3, %lt3A_5 : i1
    %and3A = arith.andi %ne3A_6, %ne3A_2 : i1
    %add3A = arith.addi %rem3A, %select_n3A : i32
    %select_n3A_7 = arith.select %and3A, %add3A, %rem3A : i32
    %jit3A_8 = arith.constant 8 : i32
    %div3A = arith.divsi %arg1, %jit3A_8 : i32
    %sign3A = arith.constant 0 : i32
    %sign3A_9 = arith.cmpi sgt, %arg1, %sign3A : i32
    %sign3A_10 = arith.extui %sign3A_9 : i1 to i32
    %sign3A_11 = arith.constant 0 : i32
    %sign3A_12 = arith.cmpi slt, %arg1, %sign3A_11 : i32
    %sign3A_13 = arith.extui %sign3A_12 : i1 to i32
    %sign3A_14 = arith.subi %sign3A_10, %sign3A_13 : i32
    %sign3A_15 = arith.constant 0 : i32
    %sign3A_16 = arith.cmpi sgt, %jit3A_8, %sign3A_15 : i32
    %sign3A_17 = arith.extui %sign3A_16 : i1 to i32
    %sign3A_18 = arith.constant 0 : i32
    %sign3A_19 = arith.cmpi slt, %jit3A_8, %sign3A_18 : i32
    %sign3A_20 = arith.extui %sign3A_19 : i1 to i32
    %sign3A_21 = arith.subi %sign3A_17, %sign3A_20 : i32
    %ne3A_22 = arith.cmpi ne, %sign3A_14, %sign3A_21 : i32
    %rem3A_23 = arith.remsi %arg1, %jit3A_8 : i32
    %ne3A_24 = arith.constant 0 : i32
    %ne3A_25 = arith.cmpi ne, %rem3A_23, %ne3A_24 : i32
    %and3A_26 = arith.andi %ne3A_22, %ne3A_25 : i1
    %sub3A = arith.constant 1 : i32
    %sub3A_27 = arith.subi %div3A, %sub3A : i32
    %select_n3A_28 = arith.select %and3A_26, %sub3A_27, %div3A : i32
    %mul3A = arith.constant 2 : i32
    %mul3A_29 = arith.muli %select_n3A_28, %mul3A : i32
    %add3A_30 = arith.addi %mul3A_29, %arg0 : i32
    %mul3A_31 = arith.constant 1600000 : i32
    %mul3A_32 = arith.muli %add3A_30, %mul3A_31 : i32
    %broadcast_in_dim3A = arith.constant 0.000000e+00 : f32
    %broadcast_in_dim3A_33 = vector.broadcast %broadcast_in_dim3A : f32 to vector<16xf32>
    %scan3A = arith.constant 0 : i32
    %scan3A_34 = arith.constant 0 : i32
    %scan3A_35 = arith.constant 6250 : i32
    %scan3A_36 = arith.addi %scan3A_34, %scan3A_35 : i32
    %scan3A_37 = arith.constant 1 : i32
    %scan3A_38 = scf.for %scan3A_47 = %scan3A_34 to %scan3A_36 step %scan3A_37 iter_args(%scan3A_48 = %scan3A) -> (i32)  : i32 {
      %mul3A_49 = arith.constant 16 : i32
      %mul3A_50 = arith.muli %scan3A_47, %mul3A_49 : i32
      %swap3A = arith.index_cast %mul3A_50 : i32 to index
      %swap3A_51 = tpu.vector_load %arg5[%swap3A] {strides = array<i32>} : memref<100000xf32, #tpu.memory_space<vmem>>, vector<16xf32>,
      tpu.vector_store %arg5[%swap3A], %broadcast_in_dim3A_33 {strides = array<i32>} : memref<100000xf32, #tpu.memory_space<vmem>>, vector<16xf32>,
      %scan3A_52 = arith.constant 0 : i32
      scf.yield %scan3A_52 : i32
    }
    %scan3A_39 = arith.constant 6250 : i32
    %scan3A_40 = arith.constant 0 : i32
    %scan3A_41 = arith.constant 0 : i32
    %scan3A_42 = arith.constant 250 : i32
    %scan3A_43 = arith.addi %scan3A_41, %scan3A_42 : i32
    %scan3A_44 = arith.constant 1 : i32
    %scan3A_45 = scf.for %scan3A_47 = %scan3A_41 to %scan3A_43 step %scan3A_44 iter_args(%scan3A_48 = %scan3A_40) -> (i32)  : i32 {
      %mul3A_49 = arith.constant 6400 : i32
      %mul3A_50 = arith.muli %scan3A_47, %mul3A_49 : i32
      %add3A_51 = arith.addi %mul3A_32, %mul3A_50 : i32
      "tpu.region"() ({
        %run_scoped3A = tpu.sem_alloc : memref<!tpu.dma_semaphore, #tpu.memory_space<semaphore_mem>>
        %dma_start3A = tpu.memref_slice %arg3[%add3A_51] : memref<6400000xi32, #tpu.memory_space<hbm>> -> memref<6400xi32, #tpu.memory_space<hbm>>
        %dma_start3A_60 = tpu.memref_slice %arg3[%add3A_51] : memref<6400000xi32, #tpu.memory_space<hbm>> -> memref<6400xi32, #tpu.memory_space<hbm>>
        tpu.enqueue_dma source(%dma_start3A_60 : memref<6400xi32, #tpu.memory_space<hbm>>) target(%arg6 : memref<6400xi32, #tpu.memory_space<vmem>>) target_semaphore(%run_scoped3A : memref<!tpu.dma_semaphore, #tpu.memory_space<semaphore_mem>>)
        %dma_wait3A = tpu.memref_slice %arg3[%add3A_51] : memref<6400000xi32, #tpu.memory_space<hbm>> -> memref<6400xi32, #tpu.memory_space<hbm>>
        %dma_wait3A_61 = tpu.memref_slice %arg3[%add3A_51] : memref<6400000xi32, #tpu.memory_space<hbm>> -> memref<6400xi32, #tpu.memory_space<hbm>>
        tpu.wait_dma2 semaphore(%run_scoped3A : memref<!tpu.dma_semaphore, #tpu.memory_space<semaphore_mem>>) src(%dma_wait3A_61 : memref<6400xi32, #tpu.memory_space<hbm>>) dst(%arg6 : memref<6400xi32, #tpu.memory_space<vmem>>)
        tpu.yield
      }) : () -> ()
      "tpu.region"() ({
        %run_scoped3A = tpu.sem_alloc : memref<!tpu.dma_semaphore, #tpu.memory_space<semaphore_mem>>
        %dma_start3A = tpu.memref_slice %arg2[%select_n3A_7, %add3A_51] : memref<8x6400000xf32, #tpu.memory_space<hbm>> -> memref<1x6400xf32, #tpu.memory_space<hbm>>
        %dma_start3A_60 = tpu.memref_squeeze %dma_start3A : memref<1x6400xf32, #tpu.memory_space<hbm>> -> memref<6400xf32, #tpu.memory_space<hbm>>
        %dma_start3A_61 = tpu.memref_slice %arg2[%select_n3A_7, %add3A_51] : memref<8x6400000xf32, #tpu.memory_space<hbm>> -> memref<1x6400xf32, #tpu.memory_space<hbm>>
        %dma_start3A_62 = tpu.memref_squeeze %dma_start3A_61 : memref<1x6400xf32, #tpu.memory_space<hbm>> -> memref<6400xf32, #tpu.memory_space<hbm>>
        tpu.enqueue_dma source(%dma_start3A_62 : memref<6400xf32, #tpu.memory_space<hbm>>) target(%arg7 : memref<6400xf32, #tpu.memory_space<vmem>>) target_semaphore(%run_scoped3A : memref<!tpu.dma_semaphore, #tpu.memory_space<semaphore_mem>>)
        %dma_wait3A = tpu.memref_slice %arg2[%select_n3A_7, %add3A_51] : memref<8x6400000xf32, #tpu.memory_space<hbm>> -> memref<1x6400xf32, #tpu.memory_space<hbm>>
        %dma_wait3A_63 = tpu.memref_squeeze %dma_wait3A : memref<1x6400xf32, #tpu.memory_space<hbm>> -> memref<6400xf32, #tpu.memory_space<hbm>>
        %dma_wait3A_64 = tpu.memref_slice %arg2[%select_n3A_7, %add3A_51] : memref<8x6400000xf32, #tpu.memory_space<hbm>> -> memref<1x6400xf32, #tpu.memory_space<hbm>>
        %dma_wait3A_65 = tpu.memref_squeeze %dma_wait3A_64 : memref<1x6400xf32, #tpu.memory_space<hbm>> -> memref<6400xf32, #tpu.memory_space<hbm>>
        tpu.wait_dma2 semaphore(%run_scoped3A : memref<!tpu.dma_semaphore, #tpu.memory_space<semaphore_mem>>) src(%dma_wait3A_65 : memref<6400xf32, #tpu.memory_space<hbm>>) dst(%arg7 : memref<6400xf32, #tpu.memory_space<vmem>>)
        tpu.yield
      }) : () -> ()
      %scan3A_52 = arith.constant 0 : i32
      %scan3A_53 = arith.constant 0 : i32
      %scan3A_54 = arith.constant 400 : i32
      %scan3A_55 = arith.addi %scan3A_53, %scan3A_54 : i32
      %scan3A_56 = arith.constant 1 : i32
      %scan3A_57 = scf.for %scan3A_60 = %scan3A_53 to %scan3A_55 step %scan3A_56 iter_args(%scan3A_61 = %scan3A_52) -> (i32)  : i32 {
        %mul3A_62 = arith.constant 16 : i32
        %mul3A_63 = arith.muli %scan3A_60, %mul3A_62 : i32
        %get3A = arith.index_cast %mul3A_63 : i32 to index
        %get3A_64 = tpu.vector_load %arg6[%get3A] {strides = array<i32>} : memref<6400xi32, #tpu.memory_space<vmem>>, vector<16xi32>,
        %mul3A_65 = arith.constant 16 : i32
        %mul3A_66 = arith.muli %scan3A_60, %mul3A_65 : i32
        %get3A_67 = arith.index_cast %mul3A_66 : i32 to index
        %get3A_68 = tpu.vector_load %arg7[%get3A_67] {strides = array<i32>} : memref<6400xf32, #tpu.memory_space<vmem>>, vector<16xf32>,
        tpu.vector_store_idx %arg5[%get3A_64], %get3A_68 {add = true} : memref<100000xf32, #tpu.memory_space<vmem>>[vector<16xi32>], vector<16xf32>,
        %scan3A_69 = arith.constant 0 : i32
        scf.yield %scan3A_69 : i32
      }
      %scan3A_58 = arith.constant 400 : i32
      %scan3A_59 = arith.constant 0 : i32
      scf.yield %scan3A_59 : i32
    }
    %scan3A_46 = arith.constant 250 : i32
    "tpu.region"() ({
      %run_scoped3A = tpu.sem_alloc : memref<!tpu.dma_semaphore, #tpu.memory_space<semaphore_mem>>
      %dma_start3A = arith.constant 0 : i32
      %dma_start3A_47 = tpu.memref_slice %arg4[%add3A_30, %select_n3A_7, %dma_start3A] : memref<4x8x100000xf32, #tpu.memory_space<hbm>> -> memref<1x1x100000xf32, #tpu.memory_space<hbm>>
      %dma_start3A_48 = tpu.memref_squeeze %dma_start3A_47 : memref<1x1x100000xf32, #tpu.memory_space<hbm>> -> memref<100000xf32, #tpu.memory_space<hbm>>
      %dma_start3A_49 = arith.constant 0 : i32
      %dma_start3A_50 = tpu.memref_slice %arg4[%add3A_30, %select_n3A_7, %dma_start3A_49] : memref<4x8x100000xf32, #tpu.memory_space<hbm>> -> memref<1x1x100000xf32, #tpu.memory_space<hbm>>
      %dma_start3A_51 = tpu.memref_squeeze %dma_start3A_50 : memref<1x1x100000xf32, #tpu.memory_space<hbm>> -> memref<100000xf32, #tpu.memory_space<hbm>>
      tpu.enqueue_dma source(%arg5 : memref<100000xf32, #tpu.memory_space<vmem>>) target(%dma_start3A_51 : memref<100000xf32, #tpu.memory_space<hbm>>) target_semaphore(%run_scoped3A : memref<!tpu.dma_semaphore, #tpu.memory_space<semaphore_mem>>)
      %dma_wait3A = arith.constant 0 : i32
      %dma_wait3A_52 = tpu.memref_slice %arg4[%add3A_30, %select_n3A_7, %dma_wait3A] : memref<4x8x100000xf32, #tpu.memory_space<hbm>> -> memref<1x1x100000xf32, #tpu.memory_space<hbm>>
      %dma_wait3A_53 = tpu.memref_squeeze %dma_wait3A_52 : memref<1x1x100000xf32, #tpu.memory_space<hbm>> -> memref<100000xf32, #tpu.memory_space<hbm>>
      %dma_wait3A_54 = arith.constant 0 : i32
      %dma_wait3A_55 = tpu.memref_slice %arg4[%add3A_30, %select_n3A_7, %dma_wait3A_54] : memref<4x8x100000xf32, #tpu.memory_space<hbm>> -> memref<1x1x100000xf32, #tpu.memory_space<hbm>>
      %dma_wait3A_56 = tpu.memref_squeeze %dma_wait3A_55 : memref<1x1x100000xf32, #tpu.memory_space<hbm>> -> memref<100000xf32, #tpu.memory_space<hbm>>
      tpu.wait_dma2 semaphore(%run_scoped3A : memref<!tpu.dma_semaphore, #tpu.memory_space<semaphore_mem>>) src(%arg5 : memref<100000xf32, #tpu.memory_space<vmem>>) dst(%dma_wait3A_56 : memref<100000xf32, #tpu.memory_space<hbm>>)
      tpu.yield
    }) : () -> ()
    return
  }
}

#map = affine_map<(d0, d1) -> (0, 0)>
#map1 = affine_map<(d0, d1) -> (0)>
module attributes {stable_mosaic.version = 14 : i64} {
  func.func @k4(%arg0: i32, %arg1: i32, %arg2: memref<4x800000xf32, #tpu.memory_space<hbm>>, %arg3: memref<800000xf32, #tpu.memory_space<hbm>>, %arg4: memref<4x5000xf32, #tpu.memory_space<vmem>>, %arg5: memref<5000xf32, #tpu.memory_space<vmem>>) attributes {dimension_semantics = [#tpu.dimension_semantics<core_parallel>, #tpu.dimension_semantics<subcore_parallel>], iteration_bounds = array<i64: 2, 16>, scalar_prefetch = 0 : i64, scratch_operands = 2 : i64, tpu.core_type = #tpu.core_type<sc_vector_subcore>, window_params = [{transform_indices = #map}, {transform_indices = #map1}]} {
    %mul3A = arith.constant 2 : i32
    %mul3A_0 = arith.muli %arg1, %mul3A : i32
    %add3A = arith.addi %mul3A_0, %arg0 : i32
    %mul3A_1 = arith.constant 25000 : i32
    %mul3A_2 = arith.muli %add3A, %mul3A_1 : i32
    %scan3A = arith.constant 0 : i32
    %scan3A_3 = arith.constant 0 : i32
    %scan3A_4 = arith.constant 5 : i32
    %scan3A_5 = arith.addi %scan3A_3, %scan3A_4 : i32
    %scan3A_6 = arith.constant 1 : i32
    %scan3A_7 = scf.for %scan3A_9 = %scan3A_3 to %scan3A_5 step %scan3A_6 iter_args(%scan3A_10 = %scan3A) -> (i32)  : i32 {
      %mul3A_11 = arith.constant 5000 : i32
      %mul3A_12 = arith.muli %scan3A_9, %mul3A_11 : i32
      %add3A_13 = arith.addi %mul3A_2, %mul3A_12 : i32
      %run_scoped3A = arith.constant 0 : i32
      %run_scoped3A_14 = arith.constant 0 : i32
      "tpu.region"() ({
        %run_scoped3A_48 = tpu.sem_alloc : memref<!tpu.dma_semaphore, #tpu.memory_space<semaphore_mem>>
        %dma_start3A = arith.constant 0 : i32
        %dma_start3A_49 = tpu.memref_slice %arg4[%run_scoped3A_14, %dma_start3A] : memref<4x5000xf32, #tpu.memory_space<vmem>> -> memref<1x5000xf32, #tpu.memory_space<vmem>>
        %dma_start3A_50 = tpu.memref_squeeze %dma_start3A_49 : memref<1x5000xf32, #tpu.memory_space<vmem>> -> memref<5000xf32, #tpu.memory_space<vmem>>
        %dma_start3A_51 = tpu.memref_slice %arg2[%run_scoped3A, %add3A_13] : memref<4x800000xf32, #tpu.memory_space<hbm>> -> memref<1x5000xf32, #tpu.memory_space<hbm>>
        %dma_start3A_52 = tpu.memref_squeeze %dma_start3A_51 : memref<1x5000xf32, #tpu.memory_space<hbm>> -> memref<5000xf32, #tpu.memory_space<hbm>>
        %dma_start3A_53 = arith.constant 0 : i32
        %dma_start3A_54 = tpu.memref_slice %arg4[%run_scoped3A_14, %dma_start3A_53] : memref<4x5000xf32, #tpu.memory_space<vmem>> -> memref<1x5000xf32, #tpu.memory_space<vmem>>
        %dma_start3A_55 = tpu.memref_squeeze %dma_start3A_54 : memref<1x5000xf32, #tpu.memory_space<vmem>> -> memref<5000xf32, #tpu.memory_space<vmem>>
        %dma_start3A_56 = tpu.memref_slice %arg2[%run_scoped3A, %add3A_13] : memref<4x800000xf32, #tpu.memory_space<hbm>> -> memref<1x5000xf32, #tpu.memory_space<hbm>>
        %dma_start3A_57 = tpu.memref_squeeze %dma_start3A_56 : memref<1x5000xf32, #tpu.memory_space<hbm>> -> memref<5000xf32, #tpu.memory_space<hbm>>
        tpu.enqueue_dma source(%dma_start3A_57 : memref<5000xf32, #tpu.memory_space<hbm>>) target(%dma_start3A_55 : memref<5000xf32, #tpu.memory_space<vmem>>) target_semaphore(%run_scoped3A_48 : memref<!tpu.dma_semaphore, #tpu.memory_space<semaphore_mem>>)
        %dma_wait3A = arith.constant 0 : i32
        %dma_wait3A_58 = tpu.memref_slice %arg4[%run_scoped3A_14, %dma_wait3A] : memref<4x5000xf32, #tpu.memory_space<vmem>> -> memref<1x5000xf32, #tpu.memory_space<vmem>>
        %dma_wait3A_59 = tpu.memref_squeeze %dma_wait3A_58 : memref<1x5000xf32, #tpu.memory_space<vmem>> -> memref<5000xf32, #tpu.memory_space<vmem>>
        %dma_wait3A_60 = tpu.memref_slice %arg2[%run_scoped3A, %add3A_13] : memref<4x800000xf32, #tpu.memory_space<hbm>> -> memref<1x5000xf32, #tpu.memory_space<hbm>>
        %dma_wait3A_61 = tpu.memref_squeeze %dma_wait3A_60 : memref<1x5000xf32, #tpu.memory_space<hbm>> -> memref<5000xf32, #tpu.memory_space<hbm>>
        %dma_wait3A_62 = arith.constant 0 : i32
        %dma_wait3A_63 = tpu.memref_slice %arg4[%run_scoped3A_14, %dma_wait3A_62] : memref<4x5000xf32, #tpu.memory_space<vmem>> -> memref<1x5000xf32, #tpu.memory_space<vmem>>
        %dma_wait3A_64 = tpu.memref_squeeze %dma_wait3A_63 : memref<1x5000xf32, #tpu.memory_space<vmem>> -> memref<5000xf32, #tpu.memory_space<vmem>>
        %dma_wait3A_65 = tpu.memref_slice %arg2[%run_scoped3A, %add3A_13] : memref<4x800000xf32, #tpu.memory_space<hbm>> -> memref<1x5000xf32, #tpu.memory_space<hbm>>
        %dma_wait3A_66 = tpu.memref_squeeze %dma_wait3A_65 : memref<1x5000xf32, #tpu.memory_space<hbm>> -> memref<5000xf32, #tpu.memory_space<hbm>>
        tpu.wait_dma2 semaphore(%run_scoped3A_48 : memref<!tpu.dma_semaphore, #tpu.memory_space<semaphore_mem>>) src(%dma_wait3A_66 : memref<5000xf32, #tpu.memory_space<hbm>>) dst(%dma_wait3A_64 : memref<5000xf32, #tpu.memory_space<vmem>>)
        tpu.yield
      }) : () -> ()
      %run_scoped3A_15 = arith.constant 1 : i32
      %run_scoped3A_16 = arith.constant 1 : i32
      "tpu.region"() ({
        %run_scoped3A_48 = tpu.sem_alloc : memref<!tpu.dma_semaphore, #tpu.memory_space<semaphore_mem>>
        %dma_start3A = arith.constant 0 : i32
        %dma_start3A_49 = tpu.memref_slice %arg4[%run_scoped3A_16, %dma_start3A] : memref<4x5000xf32, #tpu.memory_space<vmem>> -> memref<1x5000xf32, #tpu.memory_space<vmem>>
        %dma_start3A_50 = tpu.memref_squeeze %dma_start3A_49 : memref<1x5000xf32, #tpu.memory_space<vmem>> -> memref<5000xf32, #tpu.memory_space<vmem>>
        %dma_start3A_51 = tpu.memref_slice %arg2[%run_scoped3A_15, %add3A_13] : memref<4x800000xf32, #tpu.memory_space<hbm>> -> memref<1x5000xf32, #tpu.memory_space<hbm>>
        %dma_start3A_52 = tpu.memref_squeeze %dma_start3A_51 : memref<1x5000xf32, #tpu.memory_space<hbm>> -> memref<5000xf32, #tpu.memory_space<hbm>>
        %dma_start3A_53 = arith.constant 0 : i32
        %dma_start3A_54 = tpu.memref_slice %arg4[%run_scoped3A_16, %dma_start3A_53] : memref<4x5000xf32, #tpu.memory_space<vmem>> -> memref<1x5000xf32, #tpu.memory_space<vmem>>
        %dma_start3A_55 = tpu.memref_squeeze %dma_start3A_54 : memref<1x5000xf32, #tpu.memory_space<vmem>> -> memref<5000xf32, #tpu.memory_space<vmem>>
        %dma_start3A_56 = tpu.memref_slice %arg2[%run_scoped3A_15, %add3A_13] : memref<4x800000xf32, #tpu.memory_space<hbm>> -> memref<1x5000xf32, #tpu.memory_space<hbm>>
        %dma_start3A_57 = tpu.memref_squeeze %dma_start3A_56 : memref<1x5000xf32, #tpu.memory_space<hbm>> -> memref<5000xf32, #tpu.memory_space<hbm>>
        tpu.enqueue_dma source(%dma_start3A_57 : memref<5000xf32, #tpu.memory_space<hbm>>) target(%dma_start3A_55 : memref<5000xf32, #tpu.memory_space<vmem>>) target_semaphore(%run_scoped3A_48 : memref<!tpu.dma_semaphore, #tpu.memory_space<semaphore_mem>>)
        %dma_wait3A = arith.constant 0 : i32
        %dma_wait3A_58 = tpu.memref_slice %arg4[%run_scoped3A_16, %dma_wait3A] : memref<4x5000xf32, #tpu.memory_space<vmem>> -> memref<1x5000xf32, #tpu.memory_space<vmem>>
        %dma_wait3A_59 = tpu.memref_squeeze %dma_wait3A_58 : memref<1x5000xf32, #tpu.memory_space<vmem>> -> memref<5000xf32, #tpu.memory_space<vmem>>
        %dma_wait3A_60 = tpu.memref_slice %arg2[%run_scoped3A_15, %add3A_13] : memref<4x800000xf32, #tpu.memory_space<hbm>> -> memref<1x5000xf32, #tpu.memory_space<hbm>>
        %dma_wait3A_61 = tpu.memref_squeeze %dma_wait3A_60 : memref<1x5000xf32, #tpu.memory_space<hbm>> -> memref<5000xf32, #tpu.memory_space<hbm>>
        %dma_wait3A_62 = arith.constant 0 : i32
        %dma_wait3A_63 = tpu.memref_slice %arg4[%run_scoped3A_16, %dma_wait3A_62] : memref<4x5000xf32, #tpu.memory_space<vmem>> -> memref<1x5000xf32, #tpu.memory_space<vmem>>
        %dma_wait3A_64 = tpu.memref_squeeze %dma_wait3A_63 : memref<1x5000xf32, #tpu.memory_space<vmem>> -> memref<5000xf32, #tpu.memory_space<vmem>>
        %dma_wait3A_65 = tpu.memref_slice %arg2[%run_scoped3A_15, %add3A_13] : memref<4x800000xf32, #tpu.memory_space<hbm>> -> memref<1x5000xf32, #tpu.memory_space<hbm>>
        %dma_wait3A_66 = tpu.memref_squeeze %dma_wait3A_65 : memref<1x5000xf32, #tpu.memory_space<hbm>> -> memref<5000xf32, #tpu.memory_space<hbm>>
        tpu.wait_dma2 semaphore(%run_scoped3A_48 : memref<!tpu.dma_semaphore, #tpu.memory_space<semaphore_mem>>) src(%dma_wait3A_66 : memref<5000xf32, #tpu.memory_space<hbm>>) dst(%dma_wait3A_64 : memref<5000xf32, #tpu.memory_space<vmem>>)
        tpu.yield
      }) : () -> ()
      %run_scoped3A_17 = arith.constant 2 : i32
      %run_scoped3A_18 = arith.constant 2 : i32
      "tpu.region"() ({
        %run_scoped3A_48 = tpu.sem_alloc : memref<!tpu.dma_semaphore, #tpu.memory_space<semaphore_mem>>
        %dma_start3A = arith.constant 0 : i32
        %dma_start3A_49 = tpu.memref_slice %arg4[%run_scoped3A_18, %dma_start3A] : memref<4x5000xf32, #tpu.memory_space<vmem>> -> memref<1x5000xf32, #tpu.memory_space<vmem>>
        %dma_start3A_50 = tpu.memref_squeeze %dma_start3A_49 : memref<1x5000xf32, #tpu.memory_space<vmem>> -> memref<5000xf32, #tpu.memory_space<vmem>>
        %dma_start3A_51 = tpu.memref_slice %arg2[%run_scoped3A_17, %add3A_13] : memref<4x800000xf32, #tpu.memory_space<hbm>> -> memref<1x5000xf32, #tpu.memory_space<hbm>>
        %dma_start3A_52 = tpu.memref_squeeze %dma_start3A_51 : memref<1x5000xf32, #tpu.memory_space<hbm>> -> memref<5000xf32, #tpu.memory_space<hbm>>
        %dma_start3A_53 = arith.constant 0 : i32
        %dma_start3A_54 = tpu.memref_slice %arg4[%run_scoped3A_18, %dma_start3A_53] : memref<4x5000xf32, #tpu.memory_space<vmem>> -> memref<1x5000xf32, #tpu.memory_space<vmem>>
        %dma_start3A_55 = tpu.memref_squeeze %dma_start3A_54 : memref<1x5000xf32, #tpu.memory_space<vmem>> -> memref<5000xf32, #tpu.memory_space<vmem>>
        %dma_start3A_56 = tpu.memref_slice %arg2[%run_scoped3A_17, %add3A_13] : memref<4x800000xf32, #tpu.memory_space<hbm>> -> memref<1x5000xf32, #tpu.memory_space<hbm>>
        %dma_start3A_57 = tpu.memref_squeeze %dma_start3A_56 : memref<1x5000xf32, #tpu.memory_space<hbm>> -> memref<5000xf32, #tpu.memory_space<hbm>>
        tpu.enqueue_dma source(%dma_start3A_57 : memref<5000xf32, #tpu.memory_space<hbm>>) target(%dma_start3A_55 : memref<5000xf32, #tpu.memory_space<vmem>>) target_semaphore(%run_scoped3A_48 : memref<!tpu.dma_semaphore, #tpu.memory_space<semaphore_mem>>)
        %dma_wait3A = arith.constant 0 : i32
        %dma_wait3A_58 = tpu.memref_slice %arg4[%run_scoped3A_18, %dma_wait3A] : memref<4x5000xf32, #tpu.memory_space<vmem>> -> memref<1x5000xf32, #tpu.memory_space<vmem>>
        %dma_wait3A_59 = tpu.memref_squeeze %dma_wait3A_58 : memref<1x5000xf32, #tpu.memory_space<vmem>> -> memref<5000xf32, #tpu.memory_space<vmem>>
        %dma_wait3A_60 = tpu.memref_slice %arg2[%run_scoped3A_17, %add3A_13] : memref<4x800000xf32, #tpu.memory_space<hbm>> -> memref<1x5000xf32, #tpu.memory_space<hbm>>
        %dma_wait3A_61 = tpu.memref_squeeze %dma_wait3A_60 : memref<1x5000xf32, #tpu.memory_space<hbm>> -> memref<5000xf32, #tpu.memory_space<hbm>>
        %dma_wait3A_62 = arith.constant 0 : i32
        %dma_wait3A_63 = tpu.memref_slice %arg4[%run_scoped3A_18, %dma_wait3A_62] : memref<4x5000xf32, #tpu.memory_space<vmem>> -> memref<1x5000xf32, #tpu.memory_space<vmem>>
        %dma_wait3A_64 = tpu.memref_squeeze %dma_wait3A_63 : memref<1x5000xf32, #tpu.memory_space<vmem>> -> memref<5000xf32, #tpu.memory_space<vmem>>
        %dma_wait3A_65 = tpu.memref_slice %arg2[%run_scoped3A_17, %add3A_13] : memref<4x800000xf32, #tpu.memory_space<hbm>> -> memref<1x5000xf32, #tpu.memory_space<hbm>>
        %dma_wait3A_66 = tpu.memref_squeeze %dma_wait3A_65 : memref<1x5000xf32, #tpu.memory_space<hbm>> -> memref<5000xf32, #tpu.memory_space<hbm>>
        tpu.wait_dma2 semaphore(%run_scoped3A_48 : memref<!tpu.dma_semaphore, #tpu.memory_space<semaphore_mem>>) src(%dma_wait3A_66 : memref<5000xf32, #tpu.memory_space<hbm>>) dst(%dma_wait3A_64 : memref<5000xf32, #tpu.memory_space<vmem>>)
        tpu.yield
      }) : () -> ()
      %run_scoped3A_19 = arith.constant 3 : i32
      %run_scoped3A_20 = arith.constant 3 : i32
      "tpu.region"() ({
        %run_scoped3A_48 = tpu.sem_alloc : memref<!tpu.dma_semaphore, #tpu.memory_space<semaphore_mem>>
        %dma_start3A = arith.constant 0 : i32
        %dma_start3A_49 = tpu.memref_slice %arg4[%run_scoped3A_20, %dma_start3A] : memref<4x5000xf32, #tpu.memory_space<vmem>> -> memref<1x5000xf32, #tpu.memory_space<vmem>>
        %dma_start3A_50 = tpu.memref_squeeze %dma_start3A_49 : memref<1x5000xf32, #tpu.memory_space<vmem>> -> memref<5000xf32, #tpu.memory_space<vmem>>
        %dma_start3A_51 = tpu.memref_slice %arg2[%run_scoped3A_19, %add3A_13] : memref<4x800000xf32, #tpu.memory_space<hbm>> -> memref<1x5000xf32, #tpu.memory_space<hbm>>
        %dma_start3A_52 = tpu.memref_squeeze %dma_start3A_51 : memref<1x5000xf32, #tpu.memory_space<hbm>> -> memref<5000xf32, #tpu.memory_space<hbm>>
        %dma_start3A_53 = arith.constant 0 : i32
        %dma_start3A_54 = tpu.memref_slice %arg4[%run_scoped3A_20, %dma_start3A_53] : memref<4x5000xf32, #tpu.memory_space<vmem>> -> memref<1x5000xf32, #tpu.memory_space<vmem>>
        %dma_start3A_55 = tpu.memref_squeeze %dma_start3A_54 : memref<1x5000xf32, #tpu.memory_space<vmem>> -> memref<5000xf32, #tpu.memory_space<vmem>>
        %dma_start3A_56 = tpu.memref_slice %arg2[%run_scoped3A_19, %add3A_13] : memref<4x800000xf32, #tpu.memory_space<hbm>> -> memref<1x5000xf32, #tpu.memory_space<hbm>>
        %dma_start3A_57 = tpu.memref_squeeze %dma_start3A_56 : memref<1x5000xf32, #tpu.memory_space<hbm>> -> memref<5000xf32, #tpu.memory_space<hbm>>
        tpu.enqueue_dma source(%dma_start3A_57 : memref<5000xf32, #tpu.memory_space<hbm>>) target(%dma_start3A_55 : memref<5000xf32, #tpu.memory_space<vmem>>) target_semaphore(%run_scoped3A_48 : memref<!tpu.dma_semaphore, #tpu.memory_space<semaphore_mem>>)
        %dma_wait3A = arith.constant 0 : i32
        %dma_wait3A_58 = tpu.memref_slice %arg4[%run_scoped3A_20, %dma_wait3A] : memref<4x5000xf32, #tpu.memory_space<vmem>> -> memref<1x5000xf32, #tpu.memory_space<vmem>>
        %dma_wait3A_59 = tpu.memref_squeeze %dma_wait3A_58 : memref<1x5000xf32, #tpu.memory_space<vmem>> -> memref<5000xf32, #tpu.memory_space<vmem>>
        %dma_wait3A_60 = tpu.memref_slice %arg2[%run_scoped3A_19, %add3A_13] : memref<4x800000xf32, #tpu.memory_space<hbm>> -> memref<1x5000xf32, #tpu.memory_space<hbm>>
        %dma_wait3A_61 = tpu.memref_squeeze %dma_wait3A_60 : memref<1x5000xf32, #tpu.memory_space<hbm>> -> memref<5000xf32, #tpu.memory_space<hbm>>
        %dma_wait3A_62 = arith.constant 0 : i32
        %dma_wait3A_63 = tpu.memref_slice %arg4[%run_scoped3A_20, %dma_wait3A_62] : memref<4x5000xf32, #tpu.memory_space<vmem>> -> memref<1x5000xf32, #tpu.memory_space<vmem>>
        %dma_wait3A_64 = tpu.memref_squeeze %dma_wait3A_63 : memref<1x5000xf32, #tpu.memory_space<vmem>> -> memref<5000xf32, #tpu.memory_space<vmem>>
        %dma_wait3A_65 = tpu.memref_slice %arg2[%run_scoped3A_19, %add3A_13] : memref<4x800000xf32, #tpu.memory_space<hbm>> -> memref<1x5000xf32, #tpu.memory_space<hbm>>
        %dma_wait3A_66 = tpu.memref_squeeze %dma_wait3A_65 : memref<1x5000xf32, #tpu.memory_space<hbm>> -> memref<5000xf32, #tpu.memory_space<hbm>>
        tpu.wait_dma2 semaphore(%run_scoped3A_48 : memref<!tpu.dma_semaphore, #tpu.memory_space<semaphore_mem>>) src(%dma_wait3A_66 : memref<5000xf32, #tpu.memory_space<hbm>>) dst(%dma_wait3A_64 : memref<5000xf32, #tpu.memory_space<vmem>>)
        tpu.yield
      }) : () -> ()
      %scan3A_21 = arith.constant 0 : i32
      %scan3A_22 = arith.constant 0 : i32
      %scan3A_23 = arith.constant 312 : i32
      %scan3A_24 = arith.addi %scan3A_22, %scan3A_23 : i32
      %scan3A_25 = arith.constant 1 : i32
      %scan3A_26 = scf.for %scan3A_48 = %scan3A_22 to %scan3A_24 step %scan3A_25 iter_args(%scan3A_49 = %scan3A_21) -> (i32)  : i32 {
        %mul3A_50 = arith.constant 16 : i32
        %mul3A_51 = arith.muli %scan3A_48, %mul3A_50 : i32
        %get3A_52 = arith.constant 0 : i32
        %get3A_53 = arith.index_cast %get3A_52 : i32 to index
        %get3A_54 = arith.index_cast %mul3A_51 : i32 to index
        %get3A_55 = tpu.vector_load %arg4[%get3A_53, %get3A_54] {strides = array<i32>} : memref<4x5000xf32, #tpu.memory_space<vmem>>, vector<16xf32>,
        %mul3A_56 = arith.constant 16 : i32
        %mul3A_57 = arith.muli %scan3A_48, %mul3A_56 : i32
        %get3A_58 = arith.constant 1 : i32
        %get3A_59 = arith.index_cast %get3A_58 : i32 to index
        %get3A_60 = arith.index_cast %mul3A_57 : i32 to index
        %get3A_61 = tpu.vector_load %arg4[%get3A_59, %get3A_60] {strides = array<i32>} : memref<4x5000xf32, #tpu.memory_space<vmem>>, vector<16xf32>,
        %add3A_62 = arith.addf %get3A_55, %get3A_61 : vector<16xf32>
        %mul3A_63 = arith.constant 16 : i32
        %mul3A_64 = arith.muli %scan3A_48, %mul3A_63 : i32
        %get3A_65 = arith.constant 2 : i32
        %get3A_66 = arith.index_cast %get3A_65 : i32 to index
        %get3A_67 = arith.index_cast %mul3A_64 : i32 to index
        %get3A_68 = tpu.vector_load %arg4[%get3A_66, %get3A_67] {strides = array<i32>} : memref<4x5000xf32, #tpu.memory_space<vmem>>, vector<16xf32>,
        %add3A_69 = arith.addf %add3A_62, %get3A_68 : vector<16xf32>
        %mul3A_70 = arith.constant 16 : i32
        %mul3A_71 = arith.muli %scan3A_48, %mul3A_70 : i32
        %get3A_72 = arith.constant 3 : i32
        %get3A_73 = arith.index_cast %get3A_72 : i32 to index
        %get3A_74 = arith.index_cast %mul3A_71 : i32 to index
        %get3A_75 = tpu.vector_load %arg4[%get3A_73, %get3A_74] {strides = array<i32>} : memref<4x5000xf32, #tpu.memory_space<vmem>>, vector<16xf32>,
        %add3A_76 = arith.addf %add3A_69, %get3A_75 : vector<16xf32>
        %mul3A_77 = arith.constant 16 : i32
        %mul3A_78 = arith.muli %scan3A_48, %mul3A_77 : i32
        %swap3A_79 = arith.index_cast %mul3A_78 : i32 to index
        %swap3A_80 = tpu.vector_load %arg5[%swap3A_79] {strides = array<i32>} : memref<5000xf32, #tpu.memory_space<vmem>>, vector<16xf32>,
        tpu.vector_store %arg5[%swap3A_79], %add3A_76 {strides = array<i32>} : memref<5000xf32, #tpu.memory_space<vmem>>, vector<16xf32>,
        %scan3A_81 = arith.constant 0 : i32
        scf.yield %scan3A_81 : i32
      }
      %scan3A_27 = arith.constant 312 : i32
      %get3A = arith.constant 0 : i32
      %get3A_28 = arith.index_cast %get3A : i32 to index
      %get3A_29 = arith.constant 4984 : index
      %get3A_30 = tpu.vector_load %arg4[%get3A_28, %get3A_29] {strides = array<i32>} : memref<4x5000xf32, #tpu.memory_space<vmem>>, vector<16xf32>,
      %get3A_31 = arith.constant 1 : i32
      %get3A_32 = arith.index_cast %get3A_31 : i32 to index
      %get3A_33 = arith.constant 4984 : index
      %get3A_34 = tpu.vector_load %arg4[%get3A_32, %get3A_33] {strides = array<i32>} : memref<4x5000xf32, #tpu.memory_space<vmem>>, vector<16xf32>,
      %add3A_35 = arith.addf %get3A_30, %get3A_34 : vector<16xf32>
      %get3A_36 = arith.constant 2 : i32
      %get3A_37 = arith.index_cast %get3A_36 : i32 to index
      %get3A_38 = arith.constant 4984 : index
      %get3A_39 = tpu.vector_load %arg4[%get3A_37, %get3A_38] {strides = array<i32>} : memref<4x5000xf32, #tpu.memory_space<vmem>>, vector<16xf32>,
      %add3A_40 = arith.addf %add3A_35, %get3A_39 : vector<16xf32>
      %get3A_41 = arith.constant 3 : i32
      %get3A_42 = arith.index_cast %get3A_41 : i32 to index
      %get3A_43 = arith.constant 4984 : index
      %get3A_44 = tpu.vector_load %arg4[%get3A_42, %get3A_43] {strides = array<i32>} : memref<4x5000xf32, #tpu.memory_space<vmem>>, vector<16xf32>,
      %add3A_45 = arith.addf %add3A_40, %get3A_44 : vector<16xf32>
      %swap3A = arith.constant 4984 : index
      %swap3A_46 = tpu.vector_load %arg5[%swap3A] {strides = array<i32>} : memref<5000xf32, #tpu.memory_space<vmem>>, vector<16xf32>,
      tpu.vector_store %arg5[%swap3A], %add3A_45 {strides = array<i32>} : memref<5000xf32, #tpu.memory_space<vmem>>, vector<16xf32>,
      "tpu.region"() ({
        %run_scoped3A_48 = tpu.sem_alloc : memref<!tpu.dma_semaphore, #tpu.memory_space<semaphore_mem>>
        %dma_start3A = tpu.memref_slice %arg3[%add3A_13] : memref<800000xf32, #tpu.memory_space<hbm>> -> memref<5000xf32, #tpu.memory_space<hbm>>
        %dma_start3A_49 = tpu.memref_slice %arg3[%add3A_13] : memref<800000xf32, #tpu.memory_space<hbm>> -> memref<5000xf32, #tpu.memory_space<hbm>>
        tpu.enqueue_dma source(%arg5 : memref<5000xf32, #tpu.memory_space<vmem>>) target(%dma_start3A_49 : memref<5000xf32, #tpu.memory_space<hbm>>) target_semaphore(%run_scoped3A_48 : memref<!tpu.dma_semaphore, #tpu.memory_space<semaphore_mem>>)
        %dma_wait3A = tpu.memref_slice %arg3[%add3A_13] : memref<800000xf32, #tpu.memory_space<hbm>> -> memref<5000xf32, #tpu.memory_space<hbm>>
        %dma_wait3A_50 = tpu.memref_slice %arg3[%add3A_13] : memref<800000xf32, #tpu.memory_space<hbm>> -> memref<5000xf32, #tpu.memory_space<hbm>>
        tpu.wait_dma2 semaphore(%run_scoped3A_48 : memref<!tpu.dma_semaphore, #tpu.memory_space<semaphore_mem>>) src(%arg5 : memref<5000xf32, #tpu.memory_space<vmem>>) dst(%dma_wait3A_50 : memref<5000xf32, #tpu.memory_space<hbm>>)
        tpu.yield
      }) : () -> ()
      %scan3A_47 = arith.constant 0 : i32
      scf.yield %scan3A_47 : i32
    }
    %scan3A_8 = arith.constant 5 : i32
    return
  }
}

</mosaic_0001>

<sc_bundles>
// kernel: kernel.12.cloned.1.call-start
scs
__scs_entry_jumppad:
0x0: {  	(pc) =	sbr.rel $0x88, $3  }
0x1: {  	(tag) =	ssettag $0x0;
	lr =	simm.s32 $0x1  }
0x2: {  	[smem:$0x3F9F] =	sst lr;
	_ =	strace $0xD0000000  }
0x3: {  	_ = 	snop  }
0x4: {  	_ = 	snop  }
0x5: {  	_ = 	snop  }
0x6: {  	_ = 	snop  }
0x7: {  	_ = 	snop  }
__scs_overlays_trampoline_lowered:
0x8: {  	[smem:$0x3FAE] =	sst s0  }
0x9: {  	[smem:$0x3FAF] =	sst s1  }
0xa: {  	[smem:$0x3FB0] =	sst s2  }
0xb: {  	[smem:$0x3FB1] =	sst s3  }
0xc: {  	[smem:$0x3FB2] =	sst s4  }
0xd: {  	[smem:$0x3FB3] =	sst s5  }
0xe: {  	[smem:$0x3FB4] =	sst s6  }
0xf: {  	[smem:$0x3FB5] =	sst s7  }
0x10: {  	[smem:$0x3FB6] =	sst s8  }
0x11: {  	[smem:$0x3FB7] =	sst s9;
	s0 =	simm.s32 @!p0 $0x0  }
0x12: {  	s1 =	sld [smem:$0x3F9D];
	s0 =	simm.s32 @p0 $0x1  }
0x13: {  	[smem:$0x3FB8] =	sst s0;
	s0 =	simm.s32 @!p1 $0x0  }
0x14: {  	s2 =	sld [smem:$0x3F9C];
	s0 =	simm.s32 @p1 $0x1  }
0x15: {  	[smem:$0x3FB9] =	sst s0;
	s0 =	simm.s32 @!p2 $0x0  }
0x16: {  	s3 =	sld [smem:$0x3FDB];
	s0 =	simm.s32 @p2 $0x1  }
0x17: {  	s4 =	simm.s32 $0x1BF5;
	[smem:$0x3FBB] =	sst s0  }
0x18: {  	s0 =	sld [smem:$0x3F9E];
	_ =	swait.ge [sflag:s4], $0x0  }
0x19: {  	s7 =	sld [smem:$0x3F9F]  }
0x1a: {  	s8 =	sadd.s32 $0xFFFFE003, lr  }
0x1b: {  	s9 =	sadd.s32 $0xFFFFFEF7, lr;
	s5 =	simm.s32 $0xFFFFFFFF;
	p2 =	slt.u32 s8, $0xFFFFF086  }
0x1c: {  	p1 =	slt.u32 s9, $0xF7A;
	s5 =	simm.s32 @!p2 $0x0  }
0x1d: {  	s5 =	simm.s32 @p1 $0x1;
	p0 =	seq.s32 s7, s2  }
0x1e: {  	s7 =	smul.u32 @!p0 $0xF7A, s2;
	p2 =	seq.s32 @!p0 s5, $0x0  }
0x1f: {  	s9 =	smul.u32 $0xF7A, s1;
	s8 =	simm.s32 @!p0 $0x1BF5;
	p2 =	por !p2, p0  }
0x20: {  	[sflag:s8] =	ssyncset.s32 @!p0 $0xFFFFF086;
	s6 =	sadd.s32 @!p0 s3, s7;
	s7 =	simm.s32 @!p0 $0x108  }
0x21: {  	s3 =	sadd.s32 s3, s9;
	s6 =	sadd.s32 @!p0 $0x88, s6;
	s7 =	simm.s32 @p2 $0x1082  }
0x22: {  	[simem:s7], [sflag:s8] =	dma.local @!p0 [hbm:s6], $0xF7A  }
0x23: {  	s9 =	sor.u32 $0xD0000000, s2;
	s6 =	simm.s32 $0x108;
	_ =	swait.ge @!p0 [sflag:s8], $0x0  }
0x24: {  	s3 =	sadd.s32 $0x88, s3;
	s6 =	simm.s32 @!p1 $0x1082;
	[sflag:s4] =	ssyncset.s32 $0xFFFFF086  }
0x25: {  	[simem:s6], [sflag:s4] =	dma.local [hbm:s3], $0xF7A  }
0x26: {  	[smem:$0x3F9F] =	sst s1;
	(tag) =	ssettag s2;
	_ =	strace s9  }
0x27: {  	s1 =	sld [smem:$0x3FAF]  }
0x28: {  	s2 =	sld [smem:$0x3FB0]  }
0x29: {  	s4 =	sld [smem:$0x3FB2]  }
0x2a: {  	p0 =	seq.s32 s5, $0x0;
	s5 =	sld [smem:$0x3FB3]  }
0x2b: {  	s6 =	sld [smem:$0x3FB4]  }
0x2c: {  	s7 =	sld [smem:$0x3FB5]  }
0x2d: {  	s3 =	simm.s32 $0x108;
	s8 =	sld [smem:$0x3FB6]  }
0x2e: {  	s3 =	simm.s32 @!p0 $0x1082;
	s9 =	sld [smem:$0x3FB7]  }
0x2f: {  	lr =	sadd.s32 s0, s3;
	s0 =	sld [smem:$0x3FAE]  }
0x30: {  	s3 =	sld [smem:$0x3FB1]  }
0x31: {  	[smem:$0x3FBA] =	sst s10  }
0x32: {  	s10 =	sld [smem:$0x3FB8];
	_ =	sdelay $0x3  }
0x33: {  	p0 =	seq.s32 s10, $0x1;
	s10 =	sld [smem:$0x3FBA];
	_ =	sdelay $0x3  }
0x34: {  	[smem:$0x3FBA] =	sst s10  }
0x35: {  	s10 =	sld [smem:$0x3FB9];
	_ =	sdelay $0x3  }
0x36: {  	p1 =	seq.s32 s10, $0x1;
	s10 =	sld [smem:$0x3FBA];
	_ =	sdelay $0x3  }
0x37: {  	[smem:$0x3FBA] =	sst s10  }
0x38: {  	s10 =	sld [smem:$0x3FBB]  }
0x39: {  	_ = 	snop;
	(pc) =	sbr.ind lr, $3  }
0x3a: {  	_ = 	snop  }
0x3b: {  	_ = 	snop  }
0x3c: {  	p2 =	seq.s32 s10, $0x1;
	s10 =	sld [smem:$0x3FBA]  }
0x3d: {  	_ =	shalt  }
0x3e: {  	_ =	shalt  }
0x3f: {  	_ =	shalt  }
0x40: {  	_ =	shalt  }
0x41: {  	_ =	shalt  }
0x42: {  	_ =	shalt  }
0x43: {  	_ =	shalt  }
0x44: {  	_ =	shalt  }
0x45: {  	_ =	shalt  }
0x46: {  	_ =	shalt  }
0x47: {  	_ =	shalt  }
0x48: {  	_ =	shalt  }
0x49: {  	_ =	shalt  }
0x4a: {  	_ =	shalt  }
0x4b: {  	_ =	shalt  }
0x4c: {  	_ =	shalt  }
0x4d: {  	_ =	shalt  }
0x4e: {  	_ =	shalt  }
0x4f: {  	_ =	shalt  }
0x50: {  	_ =	shalt  }
0x51: {  	_ =	shalt  }
0x52: {  	_ =	shalt  }
0x53: {  	_ =	shalt  }
0x54: {  	_ =	shalt  }
0x55: {  	_ =	shalt  }
0x56: {  	_ =	shalt  }
0x57: {  	_ =	shalt  }
0x58: {  	_ =	shalt  }
0x59: {  	_ =	shalt  }
0x5a: {  	_ =	shalt  }
0x5b: {  	_ =	shalt  }
0x5c: {  	_ =	shalt  }
0x5d: {  	_ =	shalt  }
0x5e: {  	_ =	shalt  }
0x5f: {  	_ =	shalt  }
0x60: {  	_ =	shalt  }
0x61: {  	_ =	shalt  }
0x62: {  	_ =	shalt  }
0x63: {  	_ =	shalt  }
0x64: {  	_ =	shalt  }
0x65: {  	_ =	shalt  }
0x66: {  	_ =	shalt  }
0x67: {  	_ =	shalt  }
0x68: {  	_ =	shalt  }
0x69: {  	_ =	shalt  }
0x6a: {  	_ =	shalt  }
0x6b: {  	_ =	shalt  }
0x6c: {  	_ =	shalt  }
0x6d: {  	_ =	shalt  }
0x6e: {  	_ =	shalt  }
0x6f: {  	_ =	shalt  }
0x70: {  	_ =	shalt  }
0x71: {  	_ =	shalt  }
0x72: {  	_ =	shalt  }
0x73: {  	_ =	shalt  }
0x74: {  	_ =	shalt  }
0x75: {  	_ =	shalt  }
0x76: {  	_ =	shalt  }
0x77: {  	_ =	shalt  }
0x78: {  	_ =	shalt  }
0x79: {  	_ =	shalt  }
0x7a: {  	_ =	shalt  }
0x7b: {  	_ =	shalt  }
0x7c: {  	_ =	shalt  }
0x7d: {  	_ =	shalt  }
0x7e: {  	_ =	shalt  }
0x7f: {  	_ =	shalt  }
0x80: {  	_ =	shalt  }
0x81: {  	_ =	shalt  }
0x82: {  	_ =	shalt  }
0x83: {  	_ =	shalt  }
0x84: {  	_ =	shalt  }
0x85: {  	_ =	shalt  }
0x86: {  	_ =	shalt  }
0x87: {  	_ =	shalt  }
.Lfunc_end0:
.L_simem_size_0:
called_computation.5_lowered:
.L_overlay_start_0:
0x88: {  	s2 =	sld [smem:$0x3FD9]  }
0x89: {  	s3 =	sld [smem:$0x3FFE];
	_ =	sdelay $0x1  }
0x8a: {  	s1 =	srdreg.scid  }
0x8b: {  	s0 =	sand.u32 $0x1, s1  }
0x8c: {  	s16 =	sshll.u32 s0, $0xA;
	s2 =	sadd.s32 s3, s2  }
0x8d: {  	s2 =	sadd.s32 s2, s16  }
0x8e: {  	[smem:$0x3FC6] =	sst s2  }
0x8f: {  	_ = 	snop  }
0x90: {  	(tm) =	ssettm $0x1  }
0x91: {  	s17 =	sld [smem:$0x3FFB];
	_ =	sdelay $0x3  }
0x92: {  	_ =	strace s17  }
0x93: {  	s2 =	sld [smem:$0x3FFC];
	_ =	sdelay $0x3  }
0x94: {  	_ =	strace s2  }
0x95: {  	s2 =	sld [smem:$0x3FFD];
	_ =	sdelay $0x3  }
0x96: {  	_ =	strace s2  }
0x97: {  	_ =	strace $0x8FFFFFFF  }
0x98: {  	s18 =	sld [smem:$0x3FDB];
	_ =	sdelay $0x1  }
0x99: {  	s19 =	simm.s32 $_scs_section_size  }
0x9a: {  	s4 =	simm.s32 $_size__tile_overlayer_lowered;
	s5 =	simm.s32 $_tile_overlayer_lowered  }
0x9b: {  	s22 =	simm.s32 $0x1BFF;
	s21 =	sshll.u32 s5, $0x1;
	s2 =	sadd.s32 s19, s18  }
0x9c: {  	s6 =	simm.s32 $0x0;
	s20 =	sshll.u32 s4, $0x1;
	s4 =	sadd.s32 s21, s2  }
0x9d: {  	[timem:s6], [sflag:s22] =	dma.local [hbm:s4], s20  }
0x9e: {  	_ =	swait.ge [sflag:s22], s20  }
0x9f: {  	s3 =	ssub.s32 $0x0, s20;
	[sflag:s22] =	ssyncset.done $0x0  }
0xa0: {  	[sflag:s22] =	ssyncadd.s32 s3;
	_ =	sdelay $0x1  }
0xa1: {  	s23 =	simm.s32 $0x1B8B  }
0xa2: {  	_ =	swait.ge [sflag:s23], $0x1  }
0xa3: {  	[sflag:s23] =	ssyncset.done $0x0  }
0xa4: {  	s25 =	simm.s32 $0x1B8E;
	s24 =	sld [smem:$0x3FFE];
	[sflag:s23] =	ssyncadd.s32 $0xFFFFFFFF  }
0xa5: {  	s26 =	simm.s32 $execute0_lowered;
	[smem:$0x3FD2] =	sst s25  }
0xa6: {  	s4 =	sshll.u32 s26, $0x1;
	_ =	strace $0x80000052;
	[dreg:$0x1] =	wrdreg $0xFFFFFFFF  }
0xa7: {  	s28 =	simm.s32 $_size_execute0_lowered;
	s2 =	sadd.s32 s2, s4;
	[dreg:$0x0] =	wrdreg $0x0  }
0xa8: {  	s4 =	sshll.u32 s28, $0x1;
	[dreg:$0x2] =	wrdreg s2  }
0xa9: {  	[dreg:$0x3] =	wrdreg s4  }
0xaa: {  	[dreg:$0x4] =	wrdreg $0xC0  }
0xab: {  	_ =	task [dreg:s6], $0x5FFFF  }
0xac: {  	[dreg:$0x1] =	wrdreg $0xFFFFFFFF  }
0xad: {  	[dreg:$0x0] =	wrdreg $0x60  }
0xae: {  	[dreg:$0x2] =	wrdreg s24  }
0xaf: {  	[dreg:$0x3] =	wrdreg $0x9  }
0xb0: {  	_ =	task.clear_ibuf [dreg:s6], $0x4FFFF;
	_ =	strace $0x90000052  }
0xb1: {  	s29 =	simm.s32 $0x9;
	_ =	strace $0x80000054  }
0xb2: {  	_ =	swait.ge [sflag:s29], $0x1  }
0xb3: {  	[sflag:s29] =	ssyncadd.s32 $0xFFFFFFFF  }
0xb4: {  	_ =	strace $0x90000054  }
0xb5: {  	_ =	sfence  }
0xb6: {  	s30 =	sld [smem:$0x0];
	_ =	sdelay $0x2  }
0xb7: {  	s31 =	sshll.u32 s1, $0xD;
	s1 =	sshrl.u32 s1, $0x2  }
0xb8: {  	s3 =	sand.u32 $0x4000, s31;
	s1 =	sadd.s32 s1, s30  }
0xb9: {  	s0 =	sor.u32 s3, s0;
	s1 =	sshll.u32 s1, $0x11  }
0xba: {  	s0 =	sor.u32 s1, s0  }
0xbb: {  	s0 =	sadd.s32 $0x8F2B, s0  }
0xbc: {  	[sflag:s0] =	ssyncadd.remote.s32 $0x1  }
0xbd: {  	_ =	sfence.sel $0xFFFF  }
0xbe: {  	[dreg:$0x0] =	wrdreg $0xFFFFFFFF;
	(pc) =	sbr.abs _section_cstart, $3  }
0xbf: {  	[dreg:$0x1] =	wrdreg $0xFFFFFFFF  }
0xc0: {  	_ =	task.clear_ibuf [dreg:s6], $0x2FFFF;
	_ =	strace $0x9FFFFFFF  }
0xc1: {  	(tm) =	ssettm $0x7FFFFFFF  }
tec
execute0_lowered:
.L_overlay_start_1:
0x0: {  	(tag) =	ssettag $0x1  }
0x1: {  	s0 =	stileid.u32  }
0x2: {  	s1 =	srdreg.scid;
	s6 =	rddreg [dreg:$0x0]  }
0x3: {  	s12 =	simm.s32 $0x0;
	s2 =	sshrl.u32 s0, $0x2;
	s5 =	sand.u32 $0x1, s1  }
0x4: {  	s1 =	rddreg [dreg:$0x1];
	s8 =	sand.u32 $0x7, s0;
	s2 =	sand.u32 $0x2, s2  }
0x5: {  	s3 =	sadd.s32 $0x6DFC00, s6;
	s10 =	smul.u32 $0x186A0, s8;
	s7 =	sor.u32 s5, s2  }
0x6: {  	s29 =	ssub.s32 $0x2, s5;
	s2 =	simm.s32 $0x0;
	s9 =	smul.u32 $0xC3500, s7  }
0x7: {  	s4 =	sadd.s32 $0x61C600, s6;
	s11 =	sshrl.u32 s29, $0x1;
	[smem:$0x7FF] =	sst s2  }
0x8: {  	s5 =	smul.u32 $0x186A00, s7;
	s31 =	ssub.s32 s29, s11;
	s9 =	sadd.s32 s10, s9  }
0x9: {  	s11 =	simm.s32 $0x19FA0;
	_ =	strace $0x80000053;
	s9 =	sshrl.u32 s9, $0x3  }
0xa: {  	s10 =	simm.s32 $0x1;
	s30 =	sadd.s32 s9, s6;
	s6 =	smul.u32 $0x61A800, s8  }
0xb: {  	v0 =	vimm.f32 $0.0e+00;
	s8 =	smax.u32 s31, $0x1;
	s9 =	simm.s32 $0x186A0;
	s7 =	sadd.s32 $0x1E00, s30  }
.LBB2_1:
0xc: {  	s13 =	simm.s32 $0x40;
	s14 =	simm.s32 $0x0  }
.LBB2_2:
0xd: {  	p0 =	sne.s32 s13, $0x61A40;
	[tilespmem:s14+$0x0] =	vst v0;
	s14 =	smov.u32 s13;
	s13 =	sadd.s32 $0x40, s13  }
.Ltmp0:
0xe: {  	(pc) =	sbr.rel @p0 .LBB2_2-.Ltmp0, $2  }
0xf: {  	_ =	sdelay $0x2  }
0x10: {  	s14 =	sshra.s32 s14, $0x2  }
0x11: {  	[tilespmem:s14+$0x0] =	vst v0;
	s13 =	simm.s32 $0x0;
	s14 =	simm.s32 $0x0  }
.LBB2_4:
0x12: {  	s15 =	smul.u32 $0x1900, s14;
	_ =	sdelay $0x1  }
0x13: {  	s15 =	sadd.s32 s5, s15  }
0x14: {  	s16 =	sshrl.u32 s15, $0x3  }
0x15: {  	s16 =	sadd.s32 s4, s16  }
0x16: {  	[tilespmem:s9], [sflag:$0x1] =	stream.linear.gather [hbm4b:s16+s13], $0x1900, $0x38;
	[tilespmem:$0x1B8A0] =	vst v63  }
0x17: {  	s15 =	sadd.s32 s6, s15;
	_ =	swait.ge [sflag:s10], $0x1900  }
0x18: {  	s15 =	sshrl.u32 s15, $0x3;
	[sflag:s10] =	ssyncset.done $0x0  }
0x19: {  	s15 =	sadd.s32 s3, s15;
	[sflag:s10] =	ssyncadd.s32 $0xFFFFE700  }
0x1a: {  	[tilespmem:s11], [sflag:$0x1] =	stream.linear.gather [hbm4b:s15+s13], $0x1900, $0x38;
	[tilespmem:$0x1B8A0] =	vst v63  }
0x1b: {  	_ =	swait.ge [sflag:s10], $0x1900  }
0x1c: {  	[sflag:s10] =	ssyncset.done $0x0  }
0x1d: {  	s16 =	simm.s32 $0x0;
	s15 =	simm.s32 $0x40;
	[sflag:s10] =	ssyncadd.s32 $0xFFFFE700  }
.LBB2_5:
0x1e: {  	p0 =	sne.s32 s15, $0x63C0;
	v1 =	vld [tilespmem:s16+$0x186A0];
	_ =	sdelay $0x2  }
0x1f: {  	v2 =	vld [tilespmem:s16+$0x19FA0]  }
.Ltmp1:
0x20: {  	(pc) =	sbr.rel @p0 .LBB2_5-.Ltmp1, $2  }
0x21: {  	_ =	sdelay $0x2  }
0x22: {  	s16 =	sshra.s32 s15, $0x2;
	s15 =	sadd.s32 $0x40, s15;
	[tilespmem:v1+s2+$0x0] =	vst.idx.add.f32.msk $0xffff, v2  }
0x23: {  	v1 =	vld [tilespmem:s16+$0x186A0];
	_ =	sdelay $0x1  }
0x24: {  	s14 =	sadd.s32 $0x1, s14  }
0x25: {  	v2 =	vld [tilespmem:s16+$0x19FA0];
	p0 =	sne.s32 s14, $0xFA  }
.Ltmp2:
0x26: {  	_ = 	snop;
	(pc) =	sbr.rel @p0 .LBB2_4-.Ltmp2, $2  }
0x27: {  	_ =	sdelay $0x2  }
0x28: {  	[tilespmem:v1+s2+$0x0] =	vst.idx.add.f32.msk $0xffff, v2  }
0x29: {  	s12 =	sadd.s32 $0x1, s12  }
0x2a: {  	p0 =	sne.s32 s12, s8  }
.Ltmp3:
0x2b: {  	_ = 	snop;
	(pc) =	sbr.rel @p0 .LBB2_1-.Ltmp3, $4  }
0x2c: {  	[hbm4b:s7+s2] =	stream.linear.scatter [tilespmem:s2], [sflag:$0x1], $0x186A0, $0x38;
	[tilespmem:$0x1B8A0] =	vst v63  }
0x2d: {  	_ =	swait.ge [sflag:s10], $0x186A0  }
0x2e: {  	[sflag:s10] =	ssyncset.done $0x0  }
0x2f: {  	[sflag:s10] =	ssyncadd.s32 $0xFFFE7960  }
0x30: {  	_ =	sfence.sel $0x180000  }
0x31: {  	[bflag:$0x0] =	sbarrier.arrive $0xFFFF  }
0x32: {  	p0 =	sne.s32 s0, $0x0;
	_ =	strace $0x90000053  }
0x33: {  	s0 =	sadd.s32 @!p0 $0x100000, s1;
	[bflag:$0x2] =	sbarrier.arrive $0xFFFF  }
0x34: {  	[sflag:s0] =	ssyncadd.tile.s32 @!p0 $0x1;
	_ =	shalt  }
.Lfunc_end2:
_tile_overlayer_lowered:
.L_overlay_start_2:
0x35: {  	(tag) =	ssettag $0x2  }
0x36: {  	s0 =	rddreg [dreg:$0x0];
	s2 =	stileid.u32  }
0x37: {  	s1 =	rddreg [dreg:$0x1];
	p0 =	sne.s32 s2, $0x0  }
0x38: {  	s3 =	rddreg [dreg:$0x2];
	[bflag:$0x3] =	sbarrier.arrive $0xFFFF;
	s2 =	simm.s32 @!p0 $0x1C01  }
0x39: {  	[timem:s3], [sflag:s2] =	dma.local @!p0 [hbm:s0], s1  }
0x3a: {  	s0 =	simm.s32 @!p0 $0x1  }
0x3b: {  	_ =	swait.ge @!p0 [sflag:s0], s1  }
0x3c: {  	s1 =	ssub.s32 @!p0 $0x0, s1;
	[sflag:s0] =	ssyncset.done @!p0 $0x0  }
0x3d: {  	[sflag:s0] =	ssyncadd.s32 @!p0 s1  }
0x3e: {  	[bflag:$0x3] =	sbarrier.arrive $0xFFFF  }
0x3f: {  	_ =	shalt  }

// kernel: kernel.15.cloned.1.call-start
scs
__scs_entry_jumppad:
0x0: {  	(pc) =	sbr.rel $0x88, $3  }
0x1: {  	(tag) =	ssettag $0x0;
	lr =	simm.s32 $0x1  }
0x2: {  	[smem:$0x3F9F] =	sst lr;
	_ =	strace $0xD0000000  }
0x3: {  	_ = 	snop  }
0x4: {  	_ = 	snop  }
0x5: {  	_ = 	snop  }
0x6: {  	_ = 	snop  }
0x7: {  	_ = 	snop  }
__scs_overlays_trampoline_lowered:
0x8: {  	[smem:$0x3FAE] =	sst s0  }
0x9: {  	[smem:$0x3FAF] =	sst s1  }
0xa: {  	[smem:$0x3FB0] =	sst s2  }
0xb: {  	[smem:$0x3FB1] =	sst s3  }
0xc: {  	[smem:$0x3FB2] =	sst s4  }
0xd: {  	[smem:$0x3FB3] =	sst s5  }
0xe: {  	[smem:$0x3FB4] =	sst s6  }
0xf: {  	[smem:$0x3FB5] =	sst s7  }
0x10: {  	[smem:$0x3FB6] =	sst s8  }
0x11: {  	[smem:$0x3FB7] =	sst s9;
	s0 =	simm.s32 @!p0 $0x0  }
0x12: {  	s1 =	sld [smem:$0x3F9D];
	s0 =	simm.s32 @p0 $0x1  }
0x13: {  	[smem:$0x3FB8] =	sst s0;
	s0 =	simm.s32 @!p1 $0x0  }
0x14: {  	s2 =	sld [smem:$0x3F9C];
	s0 =	simm.s32 @p1 $0x1  }
0x15: {  	[smem:$0x3FB9] =	sst s0;
	s0 =	simm.s32 @!p2 $0x0  }
0x16: {  	s3 =	sld [smem:$0x3FDB];
	s0 =	simm.s32 @p2 $0x1  }
0x17: {  	s4 =	simm.s32 $0x1BF5;
	[smem:$0x3FBB] =	sst s0  }
0x18: {  	s0 =	sld [smem:$0x3F9E];
	_ =	swait.ge [sflag:s4], $0x0  }
0x19: {  	s7 =	sld [smem:$0x3F9F]  }
0x1a: {  	s8 =	sadd.s32 $0xFFFFE003, lr  }
0x1b: {  	s9 =	sadd.s32 $0xFFFFFEF7, lr;
	s5 =	simm.s32 $0xFFFFFFFF;
	p2 =	slt.u32 s8, $0xFFFFF086  }
0x1c: {  	p1 =	slt.u32 s9, $0xF7A;
	s5 =	simm.s32 @!p2 $0x0  }
0x1d: {  	s5 =	simm.s32 @p1 $0x1;
	p0 =	seq.s32 s7, s2  }
0x1e: {  	s7 =	smul.u32 @!p0 $0xF7A, s2;
	p2 =	seq.s32 @!p0 s5, $0x0  }
0x1f: {  	s9 =	smul.u32 $0xF7A, s1;
	s8 =	simm.s32 @!p0 $0x1BF5;
	p2 =	por !p2, p0  }
0x20: {  	[sflag:s8] =	ssyncset.s32 @!p0 $0xFFFFF086;
	s6 =	sadd.s32 @!p0 s3, s7;
	s7 =	simm.s32 @!p0 $0x108  }
0x21: {  	s3 =	sadd.s32 s3, s9;
	s6 =	sadd.s32 @!p0 $0x88, s6;
	s7 =	simm.s32 @p2 $0x1082  }
0x22: {  	[simem:s7], [sflag:s8] =	dma.local @!p0 [hbm:s6], $0xF7A  }
0x23: {  	s9 =	sor.u32 $0xD0000000, s2;
	s6 =	simm.s32 $0x108;
	_ =	swait.ge @!p0 [sflag:s8], $0x0  }
0x24: {  	s3 =	sadd.s32 $0x88, s3;
	s6 =	simm.s32 @!p1 $0x1082;
	[sflag:s4] =	ssyncset.s32 $0xFFFFF086  }
0x25: {  	[simem:s6], [sflag:s4] =	dma.local [hbm:s3], $0xF7A  }
0x26: {  	[smem:$0x3F9F] =	sst s1;
	(tag) =	ssettag s2;
	_ =	strace s9  }
0x27: {  	s1 =	sld [smem:$0x3FAF]  }
0x28: {  	s2 =	sld [smem:$0x3FB0]  }
0x29: {  	s4 =	sld [smem:$0x3FB2]  }
0x2a: {  	p0 =	seq.s32 s5, $0x0;
	s5 =	sld [smem:$0x3FB3]  }
0x2b: {  	s6 =	sld [smem:$0x3FB4]  }
0x2c: {  	s7 =	sld [smem:$0x3FB5]  }
0x2d: {  	s3 =	simm.s32 $0x108;
	s8 =	sld [smem:$0x3FB6]  }
0x2e: {  	s3 =	simm.s32 @!p0 $0x1082;
	s9 =	sld [smem:$0x3FB7]  }
0x2f: {  	lr =	sadd.s32 s0, s3;
	s0 =	sld [smem:$0x3FAE]  }
0x30: {  	s3 =	sld [smem:$0x3FB1]  }
0x31: {  	[smem:$0x3FBA] =	sst s10  }
0x32: {  	s10 =	sld [smem:$0x3FB8];
	_ =	sdelay $0x3  }
0x33: {  	p0 =	seq.s32 s10, $0x1;
	s10 =	sld [smem:$0x3FBA];
	_ =	sdelay $0x3  }
0x34: {  	[smem:$0x3FBA] =	sst s10  }
0x35: {  	s10 =	sld [smem:$0x3FB9];
	_ =	sdelay $0x3  }
0x36: {  	p1 =	seq.s32 s10, $0x1;
	s10 =	sld [smem:$0x3FBA];
	_ =	sdelay $0x3  }
0x37: {  	[smem:$0x3FBA] =	sst s10  }
0x38: {  	s10 =	sld [smem:$0x3FBB]  }
0x39: {  	_ = 	snop;
	(pc) =	sbr.ind lr, $3  }
0x3a: {  	_ = 	snop  }
0x3b: {  	_ = 	snop  }
0x3c: {  	p2 =	seq.s32 s10, $0x1;
	s10 =	sld [smem:$0x3FBA]  }
0x3d: {  	_ =	shalt  }
0x3e: {  	_ =	shalt  }
0x3f: {  	_ =	shalt  }
0x40: {  	_ =	shalt  }
0x41: {  	_ =	shalt  }
0x42: {  	_ =	shalt  }
0x43: {  	_ =	shalt  }
0x44: {  	_ =	shalt  }
0x45: {  	_ =	shalt  }
0x46: {  	_ =	shalt  }
0x47: {  	_ =	shalt  }
0x48: {  	_ =	shalt  }
0x49: {  	_ =	shalt  }
0x4a: {  	_ =	shalt  }
0x4b: {  	_ =	shalt  }
0x4c: {  	_ =	shalt  }
0x4d: {  	_ =	shalt  }
0x4e: {  	_ =	shalt  }
0x4f: {  	_ =	shalt  }
0x50: {  	_ =	shalt  }
0x51: {  	_ =	shalt  }
0x52: {  	_ =	shalt  }
0x53: {  	_ =	shalt  }
0x54: {  	_ =	shalt  }
0x55: {  	_ =	shalt  }
0x56: {  	_ =	shalt  }
0x57: {  	_ =	shalt  }
0x58: {  	_ =	shalt  }
0x59: {  	_ =	shalt  }
0x5a: {  	_ =	shalt  }
0x5b: {  	_ =	shalt  }
0x5c: {  	_ =	shalt  }
0x5d: {  	_ =	shalt  }
0x5e: {  	_ =	shalt  }
0x5f: {  	_ =	shalt  }
0x60: {  	_ =	shalt  }
0x61: {  	_ =	shalt  }
0x62: {  	_ =	shalt  }
0x63: {  	_ =	shalt  }
0x64: {  	_ =	shalt  }
0x65: {  	_ =	shalt  }
0x66: {  	_ =	shalt  }
0x67: {  	_ =	shalt  }
0x68: {  	_ =	shalt  }
0x69: {  	_ =	shalt  }
0x6a: {  	_ =	shalt  }
0x6b: {  	_ =	shalt  }
0x6c: {  	_ =	shalt  }
0x6d: {  	_ =	shalt  }
0x6e: {  	_ =	shalt  }
0x6f: {  	_ =	shalt  }
0x70: {  	_ =	shalt  }
0x71: {  	_ =	shalt  }
0x72: {  	_ =	shalt  }
0x73: {  	_ =	shalt  }
0x74: {  	_ =	shalt  }
0x75: {  	_ =	shalt  }
0x76: {  	_ =	shalt  }
0x77: {  	_ =	shalt  }
0x78: {  	_ =	shalt  }
0x79: {  	_ =	shalt  }
0x7a: {  	_ =	shalt  }
0x7b: {  	_ =	shalt  }
0x7c: {  	_ =	shalt  }
0x7d: {  	_ =	shalt  }
0x7e: {  	_ =	shalt  }
0x7f: {  	_ =	shalt  }
0x80: {  	_ =	shalt  }
0x81: {  	_ =	shalt  }
0x82: {  	_ =	shalt  }
0x83: {  	_ =	shalt  }
0x84: {  	_ =	shalt  }
0x85: {  	_ =	shalt  }
0x86: {  	_ =	shalt  }
0x87: {  	_ =	shalt  }
.Lfunc_end0:
.L_simem_size_0:
called_computation.6_lowered:
.L_overlay_start_0:
0x88: {  	s2 =	sld [smem:$0x3FD9]  }
0x89: {  	s3 =	sld [smem:$0x3FFE];
	_ =	sdelay $0x1  }
0x8a: {  	s1 =	srdreg.scid  }
0x8b: {  	s0 =	sand.u32 $0x1, s1  }
0x8c: {  	s14 =	sshll.u32 s0, $0xA;
	s2 =	sadd.s32 s3, s2  }
0x8d: {  	s2 =	sadd.s32 s2, s14  }
0x8e: {  	[smem:$0x3FC6] =	sst s2  }
0x8f: {  	_ = 	snop  }
0x90: {  	s2 =	sld [smem:$0x3FD0];
	_ =	sdelay $0x2  }
0x91: {  	s15 =	simm.s32 $0xB;
	s4 =	simm.s32 $0x10  }
0x92: {  	[smem:s4], [sflag:s15] =	dma.local [hbm:s2], $0x1  }
0x93: {  	_ =	swait.eq [sflag:s15], $0x1  }
0x94: {  	[sflag:s15] =	ssyncset.done $0x0  }
0x95: {  	[sflag:s15] =	ssyncadd.s32 $0xFFFFFFFF  }
0x96: {  	s16 =	sld [smem:$0x11];
	(tm) =	ssettm $0x1  }
0x97: {  	s17 =	sld [smem:$0x3FFB];
	_ =	sdelay $0x3  }
0x98: {  	_ =	strace s17  }
0x99: {  	s3 =	sld [smem:$0x3FFC];
	_ =	sdelay $0x3  }
0x9a: {  	_ =	strace s3  }
0x9b: {  	s3 =	sld [smem:$0x3FFD];
	_ =	sdelay $0x3  }
0x9c: {  	_ =	strace s3  }
0x9d: {  	_ =	strace $0x8FFFFFFF  }
0x9e: {  	s18 =	sld [smem:$0x3FDB];
	_ =	sdelay $0x1  }
0x9f: {  	s19 =	simm.s32 $_scs_section_size  }
0xa0: {  	s5 =	simm.s32 $_size__tile_overlayer_lowered;
	s6 =	simm.s32 $_tile_overlayer_lowered  }
0xa1: {  	s22 =	simm.s32 $0x1BFF;
	s21 =	sshll.u32 s6, $0x1;
	s3 =	sadd.s32 s19, s18  }
0xa2: {  	s7 =	simm.s32 $0x0;
	s20 =	sshll.u32 s5, $0x1;
	s5 =	sadd.s32 s21, s3  }
0xa3: {  	[timem:s7], [sflag:s22] =	dma.local [hbm:s5], s20  }
0xa4: {  	_ =	swait.ge [sflag:s22], s20  }
0xa5: {  	s4 =	ssub.s32 $0x0, s20;
	[sflag:s22] =	ssyncset.done $0x0  }
0xa6: {  	[sflag:s22] =	ssyncadd.s32 s4;
	_ =	sdelay $0x1  }
0xa7: {  	s23 =	simm.s32 $0x1B8B  }
0xa8: {  	_ =	swait.ge [sflag:s23], $0x1  }
0xa9: {  	[sflag:s23] =	ssyncset.done $0x0  }
0xaa: {  	s25 =	simm.s32 $0x1B8E;
	s24 =	sld [smem:$0x3FFE];
	[sflag:s23] =	ssyncadd.s32 $0xFFFFFFFF  }
0xab: {  	s26 =	simm.s32 $execute0_lowered;
	[smem:$0x3FD2] =	sst s25  }
0xac: {  	s5 =	sshll.u32 s26, $0x1;
	_ =	strace $0x80000055;
	[dreg:$0x1] =	wrdreg $0xFFFFFFFF  }
0xad: {  	s28 =	simm.s32 $_size_execute0_lowered;
	s3 =	sadd.s32 s3, s5;
	[dreg:$0x0] =	wrdreg $0x0  }
0xae: {  	s5 =	sshll.u32 s28, $0x1;
	[dreg:$0x2] =	wrdreg s3  }
0xaf: {  	[dreg:$0x3] =	wrdreg s5  }
0xb0: {  	[dreg:$0x4] =	wrdreg $0xC0  }
0xb1: {  	_ =	task [dreg:s7], $0x5FFFF  }
0xb2: {  	[dreg:$0x1] =	wrdreg $0xFFFFFFFF  }
0xb3: {  	[dreg:$0x0] =	wrdreg $0x60  }
0xb4: {  	[dreg:$0x2] =	wrdreg s24  }
0xb5: {  	[dreg:$0x3] =	wrdreg s16  }
0xb6: {  	[dreg:$0x4] =	wrdreg $0xA  }
0xb7: {  	_ =	task.clear_ibuf [dreg:s7], $0x5FFFF;
	_ =	strace $0x90000055  }
0xb8: {  	s29 =	simm.s32 $0xA;
	_ =	strace $0x80000057  }
0xb9: {  	_ =	swait.ge [sflag:s29], $0x1  }
0xba: {  	[sflag:s29] =	ssyncadd.s32 $0xFFFFFFFF  }
0xbb: {  	_ =	strace $0x90000057  }
0xbc: {  	_ =	sfence  }
0xbd: {  	s30 =	sld [smem:$0x0];
	_ =	sdelay $0x2  }
0xbe: {  	s31 =	sshll.u32 s1, $0xD;
	s1 =	sshrl.u32 s1, $0x2  }
0xbf: {  	s3 =	sand.u32 $0x4000, s31;
	s1 =	sadd.s32 s1, s30  }
0xc0: {  	s0 =	sor.u32 s3, s0;
	s1 =	sshll.u32 s1, $0x11  }
0xc1: {  	s0 =	sor.u32 s1, s0  }
0xc2: {  	s0 =	sadd.s32 $0x8F2B, s0  }
0xc3: {  	[sflag:s0] =	ssyncadd.remote.s32 $0x1  }
0xc4: {  	_ =	sfence.sel $0xFFFF  }
0xc5: {  	[dreg:$0x0] =	wrdreg $0xFFFFFFFF;
	(pc) =	sbr.abs _section_cstart, $3  }
0xc6: {  	[dreg:$0x1] =	wrdreg $0xFFFFFFFF  }
0xc7: {  	_ =	task.clear_ibuf [dreg:s7], $0x2FFFF;
	_ =	strace $0x9FFFFFFF  }
0xc8: {  	(tm) =	ssettm $0x7FFFFFFF  }
0xc9: {  	_ =	shalt  }
tec
execute0_lowered:
.L_overlay_start_1:
0x0: {  	(tag) =	ssettag $0x1  }
0x1: {  	s4 =	rddreg [dreg:$0x0]  }
0x2: {  	s1 =	rddreg [dreg:$0x1]  }
0x3: {  	s2 =	srdreg.scid;
	s0 =	rddreg [dreg:$0x2];
	s3 =	simm.s32 $0x0  }
0x4: {  	s9 =	simm.s32 $0x2710;
	s10 =	simm.s32 $0x3A98;
	s11 =	simm.s32 $0x4E20  }
0x5: {  	s12 =	simm.s32 $0x0;
	s5 =	sand.u32 $0x1, s2;
	s2 =	stileid.u32  }
0x6: {  	[smem:$0x7FF] =	sst s3;
	s4 =	sadd.s32 $0x1E00, s4;
	s6 =	ssub.s32 $0x2, s5  }
0x7: {  	s8 =	sshll.u32 s2, $0x1;
	_ =	strace $0x80000056;
	s7 =	sshrl.u32 s6, $0x1  }
0x8: {  	s5 =	sor.u32 s5, s8;
	s8 =	simm.s32 $0x1388;
	s6 =	ssub.s32 s6, s7  }
0x9: {  	s5 =	smul.u32 $0x61A8, s5;
	s7 =	simm.s32 $0x1;
	s6 =	smax.u32 s6, $0x1  }
.LBB2_1:
0xa: {  	s13 =	simm.s32 $0x0  }
.LBB2_2:
0xb: {  	s14 =	smul.u32 $0x1388, s13;
	_ =	sdelay $0x1  }
0xc: {  	s14 =	sadd.s32 s5, s14  }
0xd: {  	s14 =	sshrl.u32 s14, $0x3  }
0xe: {  	s16 =	simm.s32 $0x0;
	s15 =	sadd.s32 s4, s14  }
0xf: {  	[tilespmem:s16], [sflag:$0x1] =	stream.linear.gather [hbm4b:s15+s16], $0x1388, $0x38;
	[tilespmem:$0x61A8] =	vst v63  }
0x10: {  	_ =	swait.ge [sflag:s7], $0x1388  }
0x11: {  	[sflag:s7] =	ssyncset.done $0x0  }
0x12: {  	s17 =	sadd.s32 $0x186A0, s15;
	[sflag:s7] =	ssyncadd.s32 $0xFFFFEC78  }
0x13: {  	[tilespmem:s8], [sflag:$0x1] =	stream.linear.gather [hbm4b:s17+s16], $0x1388, $0x38;
	[tilespmem:$0x61A8] =	vst v63  }
0x14: {  	_ =	swait.ge [sflag:s7], $0x1388  }
0x15: {  	[sflag:s7] =	ssyncset.done $0x0  }
0x16: {  	s31 =	sadd.s32 $0x30D40, s15;
	[sflag:s7] =	ssyncadd.s32 $0xFFFFEC78  }
0x17: {  	[tilespmem:s9], [sflag:$0x1] =	stream.linear.gather [hbm4b:s31+s16], $0x1388, $0x38;
	[tilespmem:$0x61A8] =	vst v63  }
0x18: {  	_ =	swait.ge [sflag:s7], $0x1388  }
0x19: {  	[sflag:s7] =	ssyncset.done $0x0  }
0x1a: {  	s15 =	sadd.s32 $0x493E0, s15;
	[sflag:s7] =	ssyncadd.s32 $0xFFFFEC78  }
0x1b: {  	[tilespmem:s10], [sflag:$0x1] =	stream.linear.gather [hbm4b:s15+s16], $0x1388, $0x38;
	[tilespmem:$0x61A8] =	vst v63  }
0x1c: {  	_ =	swait.ge [sflag:s7], $0x1388  }
0x1d: {  	[sflag:s7] =	ssyncset.done $0x0  }
0x1e: {  	s15 =	simm.s32 $0x0;
	[sflag:s7] =	ssyncadd.s32 $0xFFFFEC78  }
0x1f: {  	v0 =	vld [tilespmem:s15+$0x0]  }
0x20: {  	v1 =	vld [tilespmem:s15+$0x1388];
	_ =	sdelay $0x1  }
0x21: {  	v2 =	vld [tilespmem:s15+$0x2710];
	_ =	sdelay $0x2  }
0x22: {  	s16 =	simm.s32 $0x10;
	v3 =	vld [tilespmem:s15+$0x3A98];
	v1 =	vadd.f32 v1, v0  }
0x23: {  	v0 =	vld [tilespmem:s16+$0x0]  }
0x24: {  	v4 =	vadd.f32 v2, v1;
	v2 =	vld [tilespmem:s16+$0x1388];
	_ =	sdelay $0x1  }
0x25: {  	v1 =	vld [tilespmem:s16+$0x2710]  }
0x26: {  	s17 =	simm.s32 $0x80;
	v3 =	vadd.f32 v3, v4  }
.LBB2_3:
0x27: {  	s18 =	sshra.s32 s17, $0x2;
	v4 =	vld [tilespmem:s16+$0x3A98];
	p0 =	sne.s32 s17, $0x4DC0  }
.Ltmp0:
0x28: {  	s17 =	sadd.s32 $0x40, s17;
	v5 =	vadd.f32 v2, v0;
	v0 =	vld [tilespmem:s18+$0x0];
	[tilespmem:s15+$0x4E20] =	vst v3;
	(pc) =	sbr.rel @p0 .LBB2_3-.Ltmp0, $4  }
0x29: {  	s15 =	smov.u32 s16;
	s16 =	smov.u32 s18;
	v2 =	vld [tilespmem:s18+$0x1388]  }
0x2a: {  	v3 =	vadd.f32 v1, v5  }
0x2b: {  	v1 =	vld [tilespmem:s16+$0x2710]  }
0x2c: {  	v3 =	vadd.f32 v4, v3  }
0x2d: {  	v4 =	vld [tilespmem:s16+$0x3A98]  }
0x2e: {  	v0 =	vadd.f32 v2, v0;
	_ =	sdelay $0x1  }
0x2f: {  	v0 =	vadd.f32 v1, v0;
	_ =	sdelay $0x1  }
0x30: {  	v0 =	vadd.f32 v4, v0  }
0x31: {  	[tilespmem:s15+$0x4E20] =	vst v3  }
0x32: {  	[tilespmem:s16+$0x4E20] =	vst v0  }
0x33: {  	v0 =	vld [tilespmem:$0x1378]  }
0x34: {  	v62 =	vld [tilespmem:$0x2700];
	_ =	sdelay $0x1  }
0x35: {  	v63 =	vld [tilespmem:$0x3A88];
	_ =	sdelay $0x1  }
0x36: {  	v3 =	vld [tilespmem:$0x4E10]  }
0x37: {  	v0 =	vadd.f32 v62, v0;
	_ =	sdelay $0x1  }
0x38: {  	v0 =	vadd.f32 v63, v0;
	_ =	sdelay $0x1  }
0x39: {  	s13 =	sadd.s32 $0x1, s13;
	v0 =	vadd.f32 v3, v0  }
0x3a: {  	p0 =	sne.s32 s13, $0x5  }
.Ltmp1:
0x3b: {  	s14 =	sadd.s32 s1, s14;
	[tilespmem:$0x6198] =	vst v0;
	(pc) =	sbr.rel @p0 .LBB2_2-.Ltmp1, $4  }
0x3c: {  	[hbm4b:s14+s3] =	stream.linear.scatter [tilespmem:s11], [sflag:$0x1], $0x1388, $0x38;
	[tilespmem:$0x61A8] =	vst v63  }
0x3d: {  	_ =	swait.ge [sflag:s7], $0x1388  }
0x3e: {  	[sflag:s7] =	ssyncset.done $0x0  }
0x3f: {  	[sflag:s7] =	ssyncadd.s32 $0xFFFFEC78  }
0x40: {  	s12 =	sadd.s32 $0x1, s12  }
0x41: {  	p0 =	sne.s32 s12, s6  }
.Ltmp2:
0x42: {  	_ = 	snop;
	(pc) =	sbr.rel @p0 .LBB2_1-.Ltmp2, $1  }
0x43: {  	_ =	sdelay $0x3  }
0x44: {  	_ =	sfence.sel $0x180000  }
0x45: {  	[bflag:$0x0] =	sbarrier.arrive $0xFFFF  }
0x46: {  	p0 =	sne.s32 s2, $0x0;
	_ =	strace $0x90000056  }
0x47: {  	s0 =	sadd.s32 @!p0 $0x100000, s0;
	[bflag:$0x2] =	sbarrier.arrive $0xFFFF  }
0x48: {  	[sflag:s0] =	ssyncadd.tile.s32 @!p0 $0x1;
	_ =	shalt  }
.Lfunc_end2:
_tile_overlayer_lowered:
.L_overlay_start_2:
0x49: {  	(tag) =	ssettag $0x2  }
0x4a: {  	s0 =	rddreg [dreg:$0x0];
	s2 =	stileid.u32  }
0x4b: {  	s1 =	rddreg [dreg:$0x1];
	p0 =	sne.s32 s2, $0x0  }
0x4c: {  	s3 =	rddreg [dreg:$0x2];
	[bflag:$0x3] =	sbarrier.arrive $0xFFFF;
	s2 =	simm.s32 @!p0 $0x1C01  }
0x4d: {  	[timem:s3], [sflag:s2] =	dma.local @!p0 [hbm:s0], s1  }
0x4e: {  	s0 =	simm.s32 @!p0 $0x1  }
0x4f: {  	_ =	swait.ge @!p0 [sflag:s0], s1  }
0x50: {  	s1 =	ssub.s32 @!p0 $0x0, s1;
	[sflag:s0] =	ssyncset.done @!p0 $0x0  }
0x51: {  	[sflag:s0] =	ssyncadd.s32 @!p0 s1  }
0x52: {  	[bflag:$0x3] =	sbarrier.arrive $0xFFFF  }
0x53: {  	_ =	shalt  }

// kernel: kernel.6.cloned.1.call-start
scs
__scs_entry_jumppad:
0x0: {  	(pc) =	sbr.rel $0x88, $3  }
0x1: {  	(tag) =	ssettag $0x0;
	lr =	simm.s32 $0x1  }
0x2: {  	[smem:$0x3F9F] =	sst lr;
	_ =	strace $0xD0000000  }
0x3: {  	_ = 	snop  }
0x4: {  	_ = 	snop  }
0x5: {  	_ = 	snop  }
0x6: {  	_ = 	snop  }
0x7: {  	_ = 	snop  }
__scs_overlays_trampoline_lowered:
0x8: {  	[smem:$0x3FAE] =	sst s0  }
0x9: {  	[smem:$0x3FAF] =	sst s1  }
0xa: {  	[smem:$0x3FB0] =	sst s2  }
0xb: {  	[smem:$0x3FB1] =	sst s3  }
0xc: {  	[smem:$0x3FB2] =	sst s4  }
0xd: {  	[smem:$0x3FB3] =	sst s5  }
0xe: {  	[smem:$0x3FB4] =	sst s6  }
0xf: {  	[smem:$0x3FB5] =	sst s7  }
0x10: {  	[smem:$0x3FB6] =	sst s8  }
0x11: {  	[smem:$0x3FB7] =	sst s9;
	s0 =	simm.s32 @!p0 $0x0  }
0x12: {  	s1 =	sld [smem:$0x3F9D];
	s0 =	simm.s32 @p0 $0x1  }
0x13: {  	[smem:$0x3FB8] =	sst s0;
	s0 =	simm.s32 @!p1 $0x0  }
0x14: {  	s2 =	sld [smem:$0x3F9C];
	s0 =	simm.s32 @p1 $0x1  }
0x15: {  	[smem:$0x3FB9] =	sst s0;
	s0 =	simm.s32 @!p2 $0x0  }
0x16: {  	s3 =	sld [smem:$0x3FDB];
	s0 =	simm.s32 @p2 $0x1  }
0x17: {  	s4 =	simm.s32 $0x1BF5;
	[smem:$0x3FBB] =	sst s0  }
0x18: {  	s0 =	sld [smem:$0x3F9E];
	_ =	swait.ge [sflag:s4], $0x0  }
0x19: {  	s7 =	sld [smem:$0x3F9F]  }
0x1a: {  	s8 =	sadd.s32 $0xFFFFE003, lr  }
0x1b: {  	s9 =	sadd.s32 $0xFFFFFEF7, lr;
	s5 =	simm.s32 $0xFFFFFFFF;
	p2 =	slt.u32 s8, $0xFFFFF086  }
0x1c: {  	p1 =	slt.u32 s9, $0xF7A;
	s5 =	simm.s32 @!p2 $0x0  }
0x1d: {  	s5 =	simm.s32 @p1 $0x1;
	p0 =	seq.s32 s7, s2  }
0x1e: {  	s7 =	smul.u32 @!p0 $0xF7A, s2;
	p2 =	seq.s32 @!p0 s5, $0x0  }
0x1f: {  	s9 =	smul.u32 $0xF7A, s1;
	s8 =	simm.s32 @!p0 $0x1BF5;
	p2 =	por !p2, p0  }
0x20: {  	[sflag:s8] =	ssyncset.s32 @!p0 $0xFFFFF086;
	s6 =	sadd.s32 @!p0 s3, s7;
	s7 =	simm.s32 @!p0 $0x108  }
0x21: {  	s3 =	sadd.s32 s3, s9;
	s6 =	sadd.s32 @!p0 $0x88, s6;
	s7 =	simm.s32 @p2 $0x1082  }
0x22: {  	[simem:s7], [sflag:s8] =	dma.local @!p0 [hbm:s6], $0xF7A  }
0x23: {  	s9 =	sor.u32 $0xD0000000, s2;
	s6 =	simm.s32 $0x108;
	_ =	swait.ge @!p0 [sflag:s8], $0x0  }
0x24: {  	s3 =	sadd.s32 $0x88, s3;
	s6 =	simm.s32 @!p1 $0x1082;
	[sflag:s4] =	ssyncset.s32 $0xFFFFF086  }
0x25: {  	[simem:s6], [sflag:s4] =	dma.local [hbm:s3], $0xF7A  }
0x26: {  	[smem:$0x3F9F] =	sst s1;
	(tag) =	ssettag s2;
	_ =	strace s9  }
0x27: {  	s1 =	sld [smem:$0x3FAF]  }
0x28: {  	s2 =	sld [smem:$0x3FB0]  }
0x29: {  	s4 =	sld [smem:$0x3FB2]  }
0x2a: {  	p0 =	seq.s32 s5, $0x0;
	s5 =	sld [smem:$0x3FB3]  }
0x2b: {  	s6 =	sld [smem:$0x3FB4]  }
0x2c: {  	s7 =	sld [smem:$0x3FB5]  }
0x2d: {  	s3 =	simm.s32 $0x108;
	s8 =	sld [smem:$0x3FB6]  }
0x2e: {  	s3 =	simm.s32 @!p0 $0x1082;
	s9 =	sld [smem:$0x3FB7]  }
0x2f: {  	lr =	sadd.s32 s0, s3;
	s0 =	sld [smem:$0x3FAE]  }
0x30: {  	s3 =	sld [smem:$0x3FB1]  }
0x31: {  	[smem:$0x3FBA] =	sst s10  }
0x32: {  	s10 =	sld [smem:$0x3FB8];
	_ =	sdelay $0x3  }
0x33: {  	p0 =	seq.s32 s10, $0x1;
	s10 =	sld [smem:$0x3FBA];
	_ =	sdelay $0x3  }
0x34: {  	[smem:$0x3FBA] =	sst s10  }
0x35: {  	s10 =	sld [smem:$0x3FB9];
	_ =	sdelay $0x3  }
0x36: {  	p1 =	seq.s32 s10, $0x1;
	s10 =	sld [smem:$0x3FBA];
	_ =	sdelay $0x3  }
0x37: {  	[smem:$0x3FBA] =	sst s10  }
0x38: {  	s10 =	sld [smem:$0x3FBB]  }
0x39: {  	_ = 	snop;
	(pc) =	sbr.ind lr, $3  }
0x3a: {  	_ = 	snop  }
0x3b: {  	_ = 	snop  }
0x3c: {  	p2 =	seq.s32 s10, $0x1;
	s10 =	sld [smem:$0x3FBA]  }
0x3d: {  	_ =	shalt  }
0x3e: {  	_ =	shalt  }
0x3f: {  	_ =	shalt  }
0x40: {  	_ =	shalt  }
0x41: {  	_ =	shalt  }
0x42: {  	_ =	shalt  }
0x43: {  	_ =	shalt  }
0x44: {  	_ =	shalt  }
0x45: {  	_ =	shalt  }
0x46: {  	_ =	shalt  }
0x47: {  	_ =	shalt  }
0x48: {  	_ =	shalt  }
0x49: {  	_ =	shalt  }
0x4a: {  	_ =	shalt  }
0x4b: {  	_ =	shalt  }
0x4c: {  	_ =	shalt  }
0x4d: {  	_ =	shalt  }
0x4e: {  	_ =	shalt  }
0x4f: {  	_ =	shalt  }
0x50: {  	_ =	shalt  }
0x51: {  	_ =	shalt  }
0x52: {  	_ =	shalt  }
0x53: {  	_ =	shalt  }
0x54: {  	_ =	shalt  }
0x55: {  	_ =	shalt  }
0x56: {  	_ =	shalt  }
0x57: {  	_ =	shalt  }
0x58: {  	_ =	shalt  }
0x59: {  	_ =	shalt  }
0x5a: {  	_ =	shalt  }
0x5b: {  	_ =	shalt  }
0x5c: {  	_ =	shalt  }
0x5d: {  	_ =	shalt  }
0x5e: {  	_ =	shalt  }
0x5f: {  	_ =	shalt  }
0x60: {  	_ =	shalt  }
0x61: {  	_ =	shalt  }
0x62: {  	_ =	shalt  }
0x63: {  	_ =	shalt  }
0x64: {  	_ =	shalt  }
0x65: {  	_ =	shalt  }
0x66: {  	_ =	shalt  }
0x67: {  	_ =	shalt  }
0x68: {  	_ =	shalt  }
0x69: {  	_ =	shalt  }
0x6a: {  	_ =	shalt  }
0x6b: {  	_ =	shalt  }
0x6c: {  	_ =	shalt  }
0x6d: {  	_ =	shalt  }
0x6e: {  	_ =	shalt  }
0x6f: {  	_ =	shalt  }
0x70: {  	_ =	shalt  }
0x71: {  	_ =	shalt  }
0x72: {  	_ =	shalt  }
0x73: {  	_ =	shalt  }
0x74: {  	_ =	shalt  }
0x75: {  	_ =	shalt  }
0x76: {  	_ =	shalt  }
0x77: {  	_ =	shalt  }
0x78: {  	_ =	shalt  }
0x79: {  	_ =	shalt  }
0x7a: {  	_ =	shalt  }
0x7b: {  	_ =	shalt  }
0x7c: {  	_ =	shalt  }
0x7d: {  	_ =	shalt  }
0x7e: {  	_ =	shalt  }
0x7f: {  	_ =	shalt  }
0x80: {  	_ =	shalt  }
0x81: {  	_ =	shalt  }
0x82: {  	_ =	shalt  }
0x83: {  	_ =	shalt  }
0x84: {  	_ =	shalt  }
0x85: {  	_ =	shalt  }
0x86: {  	_ =	shalt  }
0x87: {  	_ =	shalt  }
.Lfunc_end0:
.L_simem_size_0:
called_computation.3_lowered:
.L_overlay_start_0:
0x88: {  	s2 =	sld [smem:$0x3FD9]  }
0x89: {  	s3 =	sld [smem:$0x3FFE];
	_ =	sdelay $0x1  }
0x8a: {  	s1 =	srdreg.scid  }
0x8b: {  	s0 =	sand.u32 $0x1, s1  }
0x8c: {  	s14 =	sshll.u32 s0, $0xA;
	s2 =	sadd.s32 s3, s2  }
0x8d: {  	s2 =	sadd.s32 s2, s14  }
0x8e: {  	[smem:$0x3FC6] =	sst s2  }
0x8f: {  	_ = 	snop  }
0x90: {  	s2 =	sld [smem:$0x3FD0];
	_ =	sdelay $0x2  }
0x91: {  	s15 =	simm.s32 $0xB;
	s4 =	simm.s32 $0x10  }
0x92: {  	[smem:s4], [sflag:s15] =	dma.local [hbm:s2], $0x1  }
0x93: {  	_ =	swait.eq [sflag:s15], $0x1  }
0x94: {  	[sflag:s15] =	ssyncset.done $0x0  }
0x95: {  	[sflag:s15] =	ssyncadd.s32 $0xFFFFFFFF  }
0x96: {  	s16 =	sld [smem:$0x10];
	(tm) =	ssettm $0x1  }
0x97: {  	s17 =	sld [smem:$0x3FFB];
	_ =	sdelay $0x3  }
0x98: {  	_ =	strace s17  }
0x99: {  	s3 =	sld [smem:$0x3FFC];
	_ =	sdelay $0x3  }
0x9a: {  	_ =	strace s3  }
0x9b: {  	s3 =	sld [smem:$0x3FFD];
	_ =	sdelay $0x3  }
0x9c: {  	_ =	strace s3  }
0x9d: {  	_ =	strace $0x8FFFFFFF  }
0x9e: {  	s18 =	sld [smem:$0x3FDB];
	_ =	sdelay $0x1  }
0x9f: {  	s19 =	simm.s32 $_scs_section_size  }
0xa0: {  	s5 =	simm.s32 $_size__tile_overlayer_lowered;
	s6 =	simm.s32 $_tile_overlayer_lowered  }
0xa1: {  	s22 =	simm.s32 $0x1BFF;
	s21 =	sshll.u32 s6, $0x1;
	s3 =	sadd.s32 s19, s18  }
0xa2: {  	s7 =	simm.s32 $0x0;
	s20 =	sshll.u32 s5, $0x1;
	s5 =	sadd.s32 s21, s3  }
0xa3: {  	[timem:s7], [sflag:s22] =	dma.local [hbm:s5], s20  }
0xa4: {  	_ =	swait.ge [sflag:s22], s20  }
0xa5: {  	s4 =	ssub.s32 $0x0, s20;
	[sflag:s22] =	ssyncset.done $0x0  }
0xa6: {  	[sflag:s22] =	ssyncadd.s32 s4;
	_ =	sdelay $0x1  }
0xa7: {  	s23 =	simm.s32 $0x1B8B  }
0xa8: {  	_ =	swait.ge [sflag:s23], $0x1  }
0xa9: {  	[sflag:s23] =	ssyncset.done $0x0  }
0xaa: {  	s25 =	simm.s32 $0x1B8E;
	s24 =	sld [smem:$0x3FFE];
	[sflag:s23] =	ssyncadd.s32 $0xFFFFFFFF  }
0xab: {  	s26 =	simm.s32 $execute0_lowered;
	[smem:$0x3FD2] =	sst s25  }
0xac: {  	s5 =	sshll.u32 s26, $0x1;
	_ =	strace $0x8000004C;
	[dreg:$0x1] =	wrdreg $0xFFFFFFFF  }
0xad: {  	s28 =	simm.s32 $_size_execute0_lowered;
	s3 =	sadd.s32 s3, s5;
	[dreg:$0x0] =	wrdreg $0x0  }
0xae: {  	s5 =	sshll.u32 s28, $0x1;
	[dreg:$0x2] =	wrdreg s3  }
0xaf: {  	[dreg:$0x3] =	wrdreg s5  }
0xb0: {  	[dreg:$0x4] =	wrdreg $0xC0  }
0xb1: {  	_ =	task [dreg:s7], $0x5FFFF  }
0xb2: {  	[dreg:$0x1] =	wrdreg $0xFFFFFFFF  }
0xb3: {  	[dreg:$0x0] =	wrdreg $0x60  }
0xb4: {  	[dreg:$0x2] =	wrdreg s16  }
0xb5: {  	[dreg:$0x3] =	wrdreg s24  }
0xb6: {  	[dreg:$0x4] =	wrdreg $0x9  }
0xb7: {  	_ =	task.clear_ibuf [dreg:s7], $0x5FFFF;
	_ =	strace $0x9000004C  }
0xb8: {  	s29 =	simm.s32 $0x9;
	_ =	strace $0x8000004E  }
0xb9: {  	_ =	swait.ge [sflag:s29], $0x1  }
0xba: {  	[sflag:s29] =	ssyncadd.s32 $0xFFFFFFFF  }
0xbb: {  	_ =	strace $0x9000004E  }
0xbc: {  	_ =	sfence  }
0xbd: {  	s30 =	sld [smem:$0x0];
	_ =	sdelay $0x2  }
0xbe: {  	s31 =	sshll.u32 s1, $0xD;
	s1 =	sshrl.u32 s1, $0x2  }
0xbf: {  	s3 =	sand.u32 $0x4000, s31;
	s1 =	sadd.s32 s1, s30  }
0xc0: {  	s0 =	sor.u32 s3, s0;
	s1 =	sshll.u32 s1, $0x11  }
0xc1: {  	s0 =	sor.u32 s1, s0  }
0xc2: {  	s0 =	sadd.s32 $0x8F2B, s0  }
0xc3: {  	[sflag:s0] =	ssyncadd.remote.s32 $0x1  }
0xc4: {  	_ =	sfence.sel $0xFFFF  }
0xc5: {  	[dreg:$0x0] =	wrdreg $0xFFFFFFFF;
	(pc) =	sbr.abs _section_cstart, $3  }
0xc6: {  	[dreg:$0x1] =	wrdreg $0xFFFFFFFF  }
0xc7: {  	_ =	task.clear_ibuf [dreg:s7], $0x2FFFF;
	_ =	strace $0x9FFFFFFF  }
0xc8: {  	(tm) =	ssettm $0x7FFFFFFF  }
0xc9: {  	_ =	shalt  }
tec
execute0_lowered:
.L_overlay_start_1:
0x0: {  	(tag) =	ssettag $0x1  }
0x1: {  	s0 =	stileid.u32  }
0x2: {  	s2 =	rddreg [dreg:$0x0];
	s1 =	srdreg.scid  }
0x3: {  	s6 =	rddreg [dreg:$0x1];
	s12 =	simm.s32 $0x0;
	s3 =	sshrl.u32 s0, $0x2  }
0x4: {  	s5 =	sand.u32 $0x1, s1;
	s8 =	sand.u32 $0x7, s0;
	s3 =	sand.u32 $0x2, s3  }
0x5: {  	s1 =	rddreg [dreg:$0x2];
	s10 =	smul.u32 $0x186A0, s8;
	s7 =	sor.u32 s5, s3  }
0x6: {  	s29 =	ssub.s32 $0x2, s5;
	s3 =	simm.s32 $0x0;
	s9 =	smul.u32 $0xC3500, s7  }
0x7: {  	s4 =	sadd.s32 $0x61C600, s6;
	s11 =	sshrl.u32 s29, $0x1;
	[smem:$0x7FF] =	sst s3  }
0x8: {  	s5 =	smul.u32 $0x186A00, s7;
	s31 =	ssub.s32 s29, s11;
	s9 =	sadd.s32 s10, s9  }
0x9: {  	s11 =	simm.s32 $0x19FA0;
	_ =	strace $0x8000004D;
	s9 =	sshrl.u32 s9, $0x3  }
0xa: {  	s10 =	simm.s32 $0x1;
	s30 =	sadd.s32 s9, s6;
	s6 =	smul.u32 $0x61A800, s8  }
0xb: {  	v0 =	vimm.f32 $-Inf;
	s8 =	smax.u32 s31, $0x1;
	s9 =	simm.s32 $0x186A0;
	s7 =	sadd.s32 $0x1E00, s30  }
.LBB2_1:
0xc: {  	s13 =	simm.s32 $0x40;
	s14 =	simm.s32 $0x0  }
.LBB2_2:
0xd: {  	p0 =	sne.s32 s13, $0x61A40;
	[tilespmem:s14+$0x0] =	vst v0;
	s14 =	smov.u32 s13;
	s13 =	sadd.s32 $0x40, s13  }
.Ltmp0:
0xe: {  	(pc) =	sbr.rel @p0 .LBB2_2-.Ltmp0, $2  }
0xf: {  	_ =	sdelay $0x2  }
0x10: {  	s14 =	sshra.s32 s14, $0x2  }
0x11: {  	[tilespmem:s14+$0x0] =	vst v0;
	s13 =	simm.s32 $0x0;
	s14 =	simm.s32 $0x0  }
.LBB2_4:
0x12: {  	s15 =	smul.u32 $0x1900, s14;
	_ =	sdelay $0x1  }
0x13: {  	s15 =	sadd.s32 s5, s15  }
0x14: {  	s16 =	sshrl.u32 s15, $0x3  }
0x15: {  	s16 =	sadd.s32 s4, s16  }
0x16: {  	[tilespmem:s9], [sflag:$0x1] =	stream.linear.gather [hbm4b:s16+s13], $0x1900, $0x38;
	[tilespmem:$0x1B8A0] =	vst v63  }
0x17: {  	s15 =	sadd.s32 s6, s15;
	_ =	swait.ge [sflag:s10], $0x1900  }
0x18: {  	s15 =	sshrl.u32 s15, $0x3;
	[sflag:s10] =	ssyncset.done $0x0  }
0x19: {  	s15 =	sadd.s32 s2, s15;
	[sflag:s10] =	ssyncadd.s32 $0xFFFFE700  }
0x1a: {  	[tilespmem:s11], [sflag:$0x1] =	stream.linear.gather [hbm4b:s15+s13], $0x1900, $0x38;
	[tilespmem:$0x1B8A0] =	vst v63  }
0x1b: {  	_ =	swait.ge [sflag:s10], $0x1900  }
0x1c: {  	[sflag:s10] =	ssyncset.done $0x0  }
0x1d: {  	s16 =	simm.s32 $0x0;
	[sflag:s10] =	ssyncadd.s32 $0xFFFFE700  }
0x1e: {  	s15 =	simm.s32 $0x40;
	v1 =	vld [tilespmem:s16+$0x19FA0]  }
.LBB2_5:
0x1f: {  	p0 =	sne.s32 s15, $0x63C0;
	v2 =	vld [tilespmem:s16+$0x186A0];
	_ =	sdelay $0x4  }
0x20: {  	(xrf1) =	vsort.ascd.msk.f32 $0xffff, v1, v2;
	_ =	sdelay $0xd  }
0x21: {  	v1, v2, _ =	vpop (xrf1)  }
0x22: {  	(xrf1) =	vunique.msk.u32 $0xffff, v2;
	_ =	sdelay $0xd  }
0x23: {  	_, v3, vm0 =	vpop (xrf1);
	_ =	sdelay $0x5  }
0x24: {  	v3 =	vld.idx.msk [tilespmem:v2+s3+$0x0], vm0;
	_ =	sdelay $0x3  }
.Ltmp1:
0x25: {  	(pc) =	sbr.rel @p0 .LBB2_5-.Ltmp1, $4  }
0x26: {  	_ = 	snop  }
0x27: {  	v1 =	vmax.f32 v3, v1  }
0x28: {  	s16 =	sshra.s32 s15, $0x2;
	[tilespmem:v2+s3+$0x0] =	vst.idx.msk vm0, v1  }
0x29: {  	s15 =	sadd.s32 $0x40, s15;
	v1 =	vld [tilespmem:s16+$0x19FA0]  }
0x2a: {  	v2 =	vld [tilespmem:s16+$0x186A0];
	_ =	sdelay $0x4  }
0x2b: {  	(xrf1) =	vsort.ascd.msk.f32 $0xffff, v1, v2;
	_ =	sdelay $0xd  }
0x2c: {  	v1, v2, _ =	vpop (xrf1)  }
0x2d: {  	(xrf1) =	vunique.msk.u32 $0xffff, v2;
	_ =	sdelay $0xd  }
0x2e: {  	_, v3, vm0 =	vpop (xrf1);
	_ =	sdelay $0x5  }
0x2f: {  	s14 =	sadd.s32 $0x1, s14;
	v3 =	vld.idx.msk [tilespmem:v2+s3+$0x0], vm0  }
0x30: {  	p0 =	sne.s32 s14, $0xFA  }
.Ltmp2:
0x31: {  	_ = 	snop;
	(pc) =	sbr.rel @p0 .LBB2_4-.Ltmp2, $3  }
0x32: {  	_ =	sdelay $0x1  }
0x33: {  	v1 =	vmax.f32 v3, v1  }
0x34: {  	[tilespmem:v2+s3+$0x0] =	vst.idx.msk vm0, v1  }
0x35: {  	s12 =	sadd.s32 $0x1, s12  }
0x36: {  	p0 =	sne.s32 s12, s8  }
.Ltmp3:
0x37: {  	_ = 	snop;
	(pc) =	sbr.rel @p0 .LBB2_1-.Ltmp3, $4  }
0x38: {  	[hbm4b:s7+s3] =	stream.linear.scatter [tilespmem:s3], [sflag:$0x1], $0x186A0, $0x38;
	[tilespmem:$0x1B8A0] =	vst v63  }
0x39: {  	_ =	swait.ge [sflag:s10], $0x186A0  }
0x3a: {  	[sflag:s10] =	ssyncset.done $0x0  }
0x3b: {  	[sflag:s10] =	ssyncadd.s32 $0xFFFE7960  }
0x3c: {  	_ =	sfence.sel $0x180000  }
0x3d: {  	[bflag:$0x0] =	sbarrier.arrive $0xFFFF  }
0x3e: {  	p0 =	sne.s32 s0, $0x0;
	_ =	strace $0x9000004D  }
0x3f: {  	s0 =	sadd.s32 @!p0 $0x100000, s1;
	[bflag:$0x2] =	sbarrier.arrive $0xFFFF  }
0x40: {  	[sflag:s0] =	ssyncadd.tile.s32 @!p0 $0x1;
	_ =	shalt  }
.Lfunc_end2:
_tile_overlayer_lowered:
.L_overlay_start_2:
0x41: {  	(tag) =	ssettag $0x2  }
0x42: {  	s0 =	rddreg [dreg:$0x0];
	s2 =	stileid.u32  }
0x43: {  	s1 =	rddreg [dreg:$0x1];
	p0 =	sne.s32 s2, $0x0  }
0x44: {  	s3 =	rddreg [dreg:$0x2];
	[bflag:$0x3] =	sbarrier.arrive $0xFFFF;
	s2 =	simm.s32 @!p0 $0x1C01  }
0x45: {  	[timem:s3], [sflag:s2] =	dma.local @!p0 [hbm:s0], s1  }
0x46: {  	s0 =	simm.s32 @!p0 $0x1  }
0x47: {  	_ =	swait.ge @!p0 [sflag:s0], s1  }
0x48: {  	s1 =	ssub.s32 @!p0 $0x0, s1;
	[sflag:s0] =	ssyncset.done @!p0 $0x0  }
0x49: {  	[sflag:s0] =	ssyncadd.s32 @!p0 s1  }
0x4a: {  	[bflag:$0x3] =	sbarrier.arrive $0xFFFF  }
0x4b: {  	_ =	shalt  }

// kernel: kernel.9.cloned.1.call-start
scs
__scs_entry_jumppad:
0x0: {  	(pc) =	sbr.rel $0x88, $3  }
0x1: {  	(tag) =	ssettag $0x0;
	lr =	simm.s32 $0x1  }
0x2: {  	[smem:$0x3F9F] =	sst lr;
	_ =	strace $0xD0000000  }
0x3: {  	_ = 	snop  }
0x4: {  	_ = 	snop  }
0x5: {  	_ = 	snop  }
0x6: {  	_ = 	snop  }
0x7: {  	_ = 	snop  }
__scs_overlays_trampoline_lowered:
0x8: {  	[smem:$0x3FAE] =	sst s0  }
0x9: {  	[smem:$0x3FAF] =	sst s1  }
0xa: {  	[smem:$0x3FB0] =	sst s2  }
0xb: {  	[smem:$0x3FB1] =	sst s3  }
0xc: {  	[smem:$0x3FB2] =	sst s4  }
0xd: {  	[smem:$0x3FB3] =	sst s5  }
0xe: {  	[smem:$0x3FB4] =	sst s6  }
0xf: {  	[smem:$0x3FB5] =	sst s7  }
0x10: {  	[smem:$0x3FB6] =	sst s8  }
0x11: {  	[smem:$0x3FB7] =	sst s9;
	s0 =	simm.s32 @!p0 $0x0  }
0x12: {  	s1 =	sld [smem:$0x3F9D];
	s0 =	simm.s32 @p0 $0x1  }
0x13: {  	[smem:$0x3FB8] =	sst s0;
	s0 =	simm.s32 @!p1 $0x0  }
0x14: {  	s2 =	sld [smem:$0x3F9C];
	s0 =	simm.s32 @p1 $0x1  }
0x15: {  	[smem:$0x3FB9] =	sst s0;
	s0 =	simm.s32 @!p2 $0x0  }
0x16: {  	s3 =	sld [smem:$0x3FDB];
	s0 =	simm.s32 @p2 $0x1  }
0x17: {  	s4 =	simm.s32 $0x1BF5;
	[smem:$0x3FBB] =	sst s0  }
0x18: {  	s0 =	sld [smem:$0x3F9E];
	_ =	swait.ge [sflag:s4], $0x0  }
0x19: {  	s7 =	sld [smem:$0x3F9F]  }
0x1a: {  	s8 =	sadd.s32 $0xFFFFE003, lr  }
0x1b: {  	s9 =	sadd.s32 $0xFFFFFEF7, lr;
	s5 =	simm.s32 $0xFFFFFFFF;
	p2 =	slt.u32 s8, $0xFFFFF086  }
0x1c: {  	p1 =	slt.u32 s9, $0xF7A;
	s5 =	simm.s32 @!p2 $0x0  }
0x1d: {  	s5 =	simm.s32 @p1 $0x1;
	p0 =	seq.s32 s7, s2  }
0x1e: {  	s7 =	smul.u32 @!p0 $0xF7A, s2;
	p2 =	seq.s32 @!p0 s5, $0x0  }
0x1f: {  	s9 =	smul.u32 $0xF7A, s1;
	s8 =	simm.s32 @!p0 $0x1BF5;
	p2 =	por !p2, p0  }
0x20: {  	[sflag:s8] =	ssyncset.s32 @!p0 $0xFFFFF086;
	s6 =	sadd.s32 @!p0 s3, s7;
	s7 =	simm.s32 @!p0 $0x108  }
0x21: {  	s3 =	sadd.s32 s3, s9;
	s6 =	sadd.s32 @!p0 $0x88, s6;
	s7 =	simm.s32 @p2 $0x1082  }
0x22: {  	[simem:s7], [sflag:s8] =	dma.local @!p0 [hbm:s6], $0xF7A  }
0x23: {  	s9 =	sor.u32 $0xD0000000, s2;
	s6 =	simm.s32 $0x108;
	_ =	swait.ge @!p0 [sflag:s8], $0x0  }
0x24: {  	s3 =	sadd.s32 $0x88, s3;
	s6 =	simm.s32 @!p1 $0x1082;
	[sflag:s4] =	ssyncset.s32 $0xFFFFF086  }
0x25: {  	[simem:s6], [sflag:s4] =	dma.local [hbm:s3], $0xF7A  }
0x26: {  	[smem:$0x3F9F] =	sst s1;
	(tag) =	ssettag s2;
	_ =	strace s9  }
0x27: {  	s1 =	sld [smem:$0x3FAF]  }
0x28: {  	s2 =	sld [smem:$0x3FB0]  }
0x29: {  	s4 =	sld [smem:$0x3FB2]  }
0x2a: {  	p0 =	seq.s32 s5, $0x0;
	s5 =	sld [smem:$0x3FB3]  }
0x2b: {  	s6 =	sld [smem:$0x3FB4]  }
0x2c: {  	s7 =	sld [smem:$0x3FB5]  }
0x2d: {  	s3 =	simm.s32 $0x108;
	s8 =	sld [smem:$0x3FB6]  }
0x2e: {  	s3 =	simm.s32 @!p0 $0x1082;
	s9 =	sld [smem:$0x3FB7]  }
0x2f: {  	lr =	sadd.s32 s0, s3;
	s0 =	sld [smem:$0x3FAE]  }
0x30: {  	s3 =	sld [smem:$0x3FB1]  }
0x31: {  	[smem:$0x3FBA] =	sst s10  }
0x32: {  	s10 =	sld [smem:$0x3FB8];
	_ =	sdelay $0x3  }
0x33: {  	p0 =	seq.s32 s10, $0x1;
	s10 =	sld [smem:$0x3FBA];
	_ =	sdelay $0x3  }
0x34: {  	[smem:$0x3FBA] =	sst s10  }
0x35: {  	s10 =	sld [smem:$0x3FB9];
	_ =	sdelay $0x3  }
0x36: {  	p1 =	seq.s32 s10, $0x1;
	s10 =	sld [smem:$0x3FBA];
	_ =	sdelay $0x3  }
0x37: {  	[smem:$0x3FBA] =	sst s10  }
0x38: {  	s10 =	sld [smem:$0x3FBB]  }
0x39: {  	_ = 	snop;
	(pc) =	sbr.ind lr, $3  }
0x3a: {  	_ = 	snop  }
0x3b: {  	_ = 	snop  }
0x3c: {  	p2 =	seq.s32 s10, $0x1;
	s10 =	sld [smem:$0x3FBA]  }
0x3d: {  	_ =	shalt  }
0x3e: {  	_ =	shalt  }
0x3f: {  	_ =	shalt  }
0x40: {  	_ =	shalt  }
0x41: {  	_ =	shalt  }
0x42: {  	_ =	shalt  }
0x43: {  	_ =	shalt  }
0x44: {  	_ =	shalt  }
0x45: {  	_ =	shalt  }
0x46: {  	_ =	shalt  }
0x47: {  	_ =	shalt  }
0x48: {  	_ =	shalt  }
0x49: {  	_ =	shalt  }
0x4a: {  	_ =	shalt  }
0x4b: {  	_ =	shalt  }
0x4c: {  	_ =	shalt  }
0x4d: {  	_ =	shalt  }
0x4e: {  	_ =	shalt  }
0x4f: {  	_ =	shalt  }
0x50: {  	_ =	shalt  }
0x51: {  	_ =	shalt  }
0x52: {  	_ =	shalt  }
0x53: {  	_ =	shalt  }
0x54: {  	_ =	shalt  }
0x55: {  	_ =	shalt  }
0x56: {  	_ =	shalt  }
0x57: {  	_ =	shalt  }
0x58: {  	_ =	shalt  }
0x59: {  	_ =	shalt  }
0x5a: {  	_ =	shalt  }
0x5b: {  	_ =	shalt  }
0x5c: {  	_ =	shalt  }
0x5d: {  	_ =	shalt  }
0x5e: {  	_ =	shalt  }
0x5f: {  	_ =	shalt  }
0x60: {  	_ =	shalt  }
0x61: {  	_ =	shalt  }
0x62: {  	_ =	shalt  }
0x63: {  	_ =	shalt  }
0x64: {  	_ =	shalt  }
0x65: {  	_ =	shalt  }
0x66: {  	_ =	shalt  }
0x67: {  	_ =	shalt  }
0x68: {  	_ =	shalt  }
0x69: {  	_ =	shalt  }
0x6a: {  	_ =	shalt  }
0x6b: {  	_ =	shalt  }
0x6c: {  	_ =	shalt  }
0x6d: {  	_ =	shalt  }
0x6e: {  	_ =	shalt  }
0x6f: {  	_ =	shalt  }
0x70: {  	_ =	shalt  }
0x71: {  	_ =	shalt  }
0x72: {  	_ =	shalt  }
0x73: {  	_ =	shalt  }
0x74: {  	_ =	shalt  }
0x75: {  	_ =	shalt  }
0x76: {  	_ =	shalt  }
0x77: {  	_ =	shalt  }
0x78: {  	_ =	shalt  }
0x79: {  	_ =	shalt  }
0x7a: {  	_ =	shalt  }
0x7b: {  	_ =	shalt  }
0x7c: {  	_ =	shalt  }
0x7d: {  	_ =	shalt  }
0x7e: {  	_ =	shalt  }
0x7f: {  	_ =	shalt  }
0x80: {  	_ =	shalt  }
0x81: {  	_ =	shalt  }
0x82: {  	_ =	shalt  }
0x83: {  	_ =	shalt  }
0x84: {  	_ =	shalt  }
0x85: {  	_ =	shalt  }
0x86: {  	_ =	shalt  }
0x87: {  	_ =	shalt  }
.Lfunc_end0:
.L_simem_size_0:
called_computation.4_lowered:
.L_overlay_start_0:
0x88: {  	s2 =	sld [smem:$0x3FD9]  }
0x89: {  	s3 =	sld [smem:$0x3FFE];
	_ =	sdelay $0x1  }
0x8a: {  	s1 =	srdreg.scid  }
0x8b: {  	s0 =	sand.u32 $0x1, s1  }
0x8c: {  	s14 =	sshll.u32 s0, $0xA;
	s2 =	sadd.s32 s3, s2  }
0x8d: {  	s2 =	sadd.s32 s2, s14  }
0x8e: {  	[smem:$0x3FC6] =	sst s2  }
0x8f: {  	_ = 	snop  }
0x90: {  	s2 =	sld [smem:$0x3FD0];
	_ =	sdelay $0x2  }
0x91: {  	s15 =	simm.s32 $0xB;
	s4 =	simm.s32 $0x10  }
0x92: {  	[smem:s4], [sflag:s15] =	dma.local [hbm:s2], $0x1  }
0x93: {  	_ =	swait.eq [sflag:s15], $0x1  }
0x94: {  	[sflag:s15] =	ssyncset.done $0x0  }
0x95: {  	[sflag:s15] =	ssyncadd.s32 $0xFFFFFFFF  }
0x96: {  	s16 =	sld [smem:$0x10];
	(tm) =	ssettm $0x1  }
0x97: {  	s17 =	sld [smem:$0x3FFB];
	_ =	sdelay $0x3  }
0x98: {  	_ =	strace s17  }
0x99: {  	s3 =	sld [smem:$0x3FFC];
	_ =	sdelay $0x3  }
0x9a: {  	_ =	strace s3  }
0x9b: {  	s3 =	sld [smem:$0x3FFD];
	_ =	sdelay $0x3  }
0x9c: {  	_ =	strace s3  }
0x9d: {  	_ =	strace $0x8FFFFFFF  }
0x9e: {  	s18 =	sld [smem:$0x3FDB];
	_ =	sdelay $0x1  }
0x9f: {  	s19 =	simm.s32 $_scs_section_size  }
0xa0: {  	s5 =	simm.s32 $_size__tile_overlayer_lowered;
	s6 =	simm.s32 $_tile_overlayer_lowered  }
0xa1: {  	s22 =	simm.s32 $0x1BFF;
	s21 =	sshll.u32 s6, $0x1;
	s3 =	sadd.s32 s19, s18  }
0xa2: {  	s7 =	simm.s32 $0x0;
	s20 =	sshll.u32 s5, $0x1;
	s5 =	sadd.s32 s21, s3  }
0xa3: {  	[timem:s7], [sflag:s22] =	dma.local [hbm:s5], s20  }
0xa4: {  	_ =	swait.ge [sflag:s22], s20  }
0xa5: {  	s4 =	ssub.s32 $0x0, s20;
	[sflag:s22] =	ssyncset.done $0x0  }
0xa6: {  	[sflag:s22] =	ssyncadd.s32 s4;
	_ =	sdelay $0x1  }
0xa7: {  	s23 =	simm.s32 $0x1B8B  }
0xa8: {  	_ =	swait.ge [sflag:s23], $0x1  }
0xa9: {  	[sflag:s23] =	ssyncset.done $0x0  }
0xaa: {  	s25 =	simm.s32 $0x1B8E;
	s24 =	sld [smem:$0x3FFE];
	[sflag:s23] =	ssyncadd.s32 $0xFFFFFFFF  }
0xab: {  	s26 =	simm.s32 $execute0_lowered;
	[smem:$0x3FD2] =	sst s25  }
0xac: {  	s5 =	sshll.u32 s26, $0x1;
	_ =	strace $0x8000004F;
	[dreg:$0x1] =	wrdreg $0xFFFFFFFF  }
0xad: {  	s28 =	simm.s32 $_size_execute0_lowered;
	s3 =	sadd.s32 s3, s5;
	[dreg:$0x0] =	wrdreg $0x0  }
0xae: {  	s5 =	sshll.u32 s28, $0x1;
	[dreg:$0x2] =	wrdreg s3  }
0xaf: {  	[dreg:$0x3] =	wrdreg s5  }
0xb0: {  	[dreg:$0x4] =	wrdreg $0xC0  }
0xb1: {  	_ =	task [dreg:s7], $0x5FFFF  }
0xb2: {  	[dreg:$0x1] =	wrdreg $0xFFFFFFFF  }
0xb3: {  	[dreg:$0x0] =	wrdreg $0x60  }
0xb4: {  	[dreg:$0x2] =	wrdreg s16  }
0xb5: {  	[dreg:$0x3] =	wrdreg s24  }
0xb6: {  	[dreg:$0x4] =	wrdreg $0x9  }
0xb7: {  	_ =	task.clear_ibuf [dreg:s7], $0x5FFFF;
	_ =	strace $0x9000004F  }
0xb8: {  	s29 =	simm.s32 $0x9;
	_ =	strace $0x80000051  }
0xb9: {  	_ =	swait.ge [sflag:s29], $0x1  }
0xba: {  	[sflag:s29] =	ssyncadd.s32 $0xFFFFFFFF  }
0xbb: {  	_ =	strace $0x90000051  }
0xbc: {  	_ =	sfence  }
0xbd: {  	s30 =	sld [smem:$0x0];
	_ =	sdelay $0x2  }
0xbe: {  	s31 =	sshll.u32 s1, $0xD;
	s1 =	sshrl.u32 s1, $0x2  }
0xbf: {  	s3 =	sand.u32 $0x4000, s31;
	s1 =	sadd.s32 s1, s30  }
0xc0: {  	s0 =	sor.u32 s3, s0;
	s1 =	sshll.u32 s1, $0x11  }
0xc1: {  	s0 =	sor.u32 s1, s0  }
0xc2: {  	s0 =	sadd.s32 $0x8F2B, s0  }
0xc3: {  	[sflag:s0] =	ssyncadd.remote.s32 $0x1  }
0xc4: {  	_ =	sfence.sel $0xFFFF  }
0xc5: {  	[dreg:$0x0] =	wrdreg $0xFFFFFFFF;
	(pc) =	sbr.abs _section_cstart, $3  }
0xc6: {  	[dreg:$0x1] =	wrdreg $0xFFFFFFFF  }
0xc7: {  	_ =	task.clear_ibuf [dreg:s7], $0x2FFFF;
	_ =	strace $0x9FFFFFFF  }
0xc8: {  	(tm) =	ssettm $0x7FFFFFFF  }
0xc9: {  	_ =	shalt  }
tec
execute0_lowered:
.L_overlay_start_1:
0x0: {  	(tag) =	ssettag $0x1  }
0x1: {  	s2 =	rddreg [dreg:$0x0]  }
0x2: {  	s8 =	rddreg [dreg:$0x1]  }
0x3: {  	s0 =	rddreg [dreg:$0x2];
	s3 =	simm.s32 $0x0;
	s1 =	stileid.u32  }
0x4: {  	s4 =	srdreg.scid;
	s12 =	simm.s32 $0x1;
	s13 =	simm.s32 $0x18E70  }
0x5: {  	s14 =	simm.s32 $0x19640;
	s15 =	simm.s32 $0x19E10;
	s16 =	simm.s32 $0x1A5E0  }
0x6: {  	s17 =	simm.s32 $0x1BEE0;
	s18 =	simm.s32 $0x1D7E0;
	s19 =	simm.s32 $0x0  }
0x7: {  	[smem:$0x7FF] =	sst s3;
	s5 =	sshrl.u32 s1, $0x2;
	s6 =	sand.u32 $0x1, s4  }
0x8: {  	s4 =	sadd.s32 $0x61C600, s8;
	s10 =	sand.u32 $0x7, s1;
	s5 =	sand.u32 $0x2, s5  }
0x9: {  	_ =	strace $0x80000050;
	s7 =	ssub.s32 $0x2, s6;
	s5 =	sor.u32 s6, s5  }
0xa: {  	s9 =	sshrl.u32 s7, $0x1;
	s6 =	sadd.s32 $0x1E00, s8;
	s5 =	smul.u32 $0x186A00, s5  }
0xb: {  	s8 =	sadd.s32 $0x6DFC00, s8;
	s11 =	ssub.s32 s7, s9;
	s7 =	smul.u32 $0x186A0, s10  }
0xc: {  	s9 =	smul.u32 $0x61A800, s10;
	s10 =	smax.u32 s11, $0x1;
	s11 =	simm.s32 $0x186A0  }
.LBB2_1:
0xd: {  	s21 =	simm.s32 $0x0;
	s22 =	simm.s32 $0x0  }
.LBB2_2:
0xe: {  	s20 =	smul.u32 $0x7D0, s22;
	_ =	sdelay $0x1  }
0xf: {  	s20 =	sadd.s32 s7, s20  }
0x10: {  	s20 =	sshrl.u32 s20, $0x3  }
0x11: {  	s23 =	simm.s32 $0x0;
	s20 =	sadd.s32 s6, s20  }
0x12: {  	[tilespmem:s11], [sflag:$0x1] =	stream.linear.gather [hbm4b:s20+s23], $0x7D0, $0x38;
	[tilespmem:$0x1F0E0] =	vst v63  }
0x13: {  	_ =	swait.ge [sflag:s12], $0x7D0  }
0x14: {  	[sflag:s12] =	ssyncset.done $0x0  }
0x15: {  	s24 =	sadd.s32 $0x186A0, s20;
	[sflag:s12] =	ssyncadd.s32 $0xFFFFF830  }
0x16: {  	[tilespmem:s13], [sflag:$0x1] =	stream.linear.gather [hbm4b:s24+s23], $0x7D0, $0x38;
	[tilespmem:$0x1F0E0] =	vst v63  }
0x17: {  	_ =	swait.ge [sflag:s12], $0x7D0  }
0x18: {  	[sflag:s12] =	ssyncset.done $0x0  }
0x19: {  	s31 =	sadd.s32 $0x30D40, s20;
	[sflag:s12] =	ssyncadd.s32 $0xFFFFF830  }
0x1a: {  	[tilespmem:s14], [sflag:$0x1] =	stream.linear.gather [hbm4b:s31+s23], $0x7D0, $0x38;
	[tilespmem:$0x1F0E0] =	vst v63  }
0x1b: {  	_ =	swait.ge [sflag:s12], $0x7D0  }
0x1c: {  	[sflag:s12] =	ssyncset.done $0x0  }
0x1d: {  	s20 =	sadd.s32 $0x493E0, s20;
	[sflag:s12] =	ssyncadd.s32 $0xFFFFF830  }
0x1e: {  	[tilespmem:s15], [sflag:$0x1] =	stream.linear.gather [hbm4b:s20+s23], $0x7D0, $0x38;
	[tilespmem:$0x1F0E0] =	vst v63  }
0x1f: {  	_ =	swait.ge [sflag:s12], $0x7D0  }
0x20: {  	[sflag:s12] =	ssyncset.done $0x0  }
0x21: {  	s20 =	simm.s32 $0x0;
	[sflag:s12] =	ssyncadd.s32 $0xFFFFF830  }
0x22: {  	v0 =	vmov s21;
	s23 =	simm.s32 $0x40;
	v1 =	vld [tilespmem:s20+$0x18E70]  }
.LBB2_3:
0x23: {  	p0 =	sne.s32 s23, $0x1F00;
	v2 =	vld [tilespmem:s20+$0x186A0]  }
0x24: {  	v3 =	vld [tilespmem:s20+$0x19640]  }
0x25: {  	v4 =	vld [tilespmem:s20+$0x19E10];
	_ =	sdelay $0x2  }
.Ltmp0:
0x26: {  	v1 =	vmax.f32 v2, v1;
	(pc) =	sbr.rel @p0 .LBB2_3-.Ltmp0, $4  }
0x27: {  	v1 =	vmax.f32 v1, v3  }
0x28: {  	v1 =	vmax.f32 v1, v4  }
0x29: {  	[tilespmem:v0+s20+$0x0 ss:$0x1] =	vst.idx.msk $0xffff, v1;
	s20 =	sshra.s32 s23, $0x2  }
0x2a: {  	s23 =	sadd.s32 $0x40, s23;
	v1 =	vld [tilespmem:s20+$0x18E70]  }
0x2b: {  	v2 =	vld [tilespmem:s20+$0x186A0]  }
0x2c: {  	v3 =	vld [tilespmem:s20+$0x19640]  }
0x2d: {  	v4 =	vld [tilespmem:s20+$0x19E10];
	s22 =	sadd.s32 $0x1, s22  }
0x2e: {  	p0 =	sne.s32 s22, $0x32  }
.Ltmp1:
0x2f: {  	_ = 	snop;
	(pc) =	sbr.rel @p0 .LBB2_2-.Ltmp1, $4  }
0x30: {  	v1 =	vmax.f32 v2, v1  }
0x31: {  	v1 =	vmax.f32 v1, v3  }
0x32: {  	v1 =	vmax.f32 v1, v4  }
0x33: {  	s21 =	sadd.s32 $0x7D0, s21;
	[tilespmem:v0+s20+$0x0 ss:$0x1] =	vst.idx.msk $0xffff, v1;
	s20 =	simm.s32 $0x0  }
0x34: {  	s21 =	simm.s32 $0x0  }
.LBB2_6:
0x35: {  	s22 =	smul.u32 $0x1900, s21;
	_ =	sdelay $0x1  }
0x36: {  	s22 =	sadd.s32 s5, s22  }
0x37: {  	s23 =	sshrl.u32 s22, $0x3  }
0x38: {  	s23 =	sadd.s32 s4, s23  }
0x39: {  	[tilespmem:s16], [sflag:$0x1] =	stream.linear.gather [hbm4b:s23+s20], $0x1900, $0x38;
	[tilespmem:$0x1F0E0] =	vst v63  }
0x3a: {  	s22 =	sadd.s32 s9, s22;
	_ =	swait.ge [sflag:s12], $0x1900  }
0x3b: {  	s22 =	sshrl.u32 s22, $0x3;
	[sflag:s12] =	ssyncset.done $0x0  }
0x3c: {  	s31 =	sadd.s32 s2, s22;
	[sflag:s12] =	ssyncadd.s32 $0xFFFFE700  }
0x3d: {  	[tilespmem:s17], [sflag:$0x1] =	stream.linear.gather [hbm4b:s31+s20], $0x1900, $0x38;
	[tilespmem:$0x1F0E0] =	vst v63  }
0x3e: {  	_ =	swait.ge [sflag:s12], $0x1900  }
0x3f: {  	[sflag:s12] =	ssyncset.done $0x0  }
0x40: {  	s23 =	simm.s32 $0x0;
	[sflag:s12] =	ssyncadd.s32 $0xFFFFE700  }
0x41: {  	v0 =	vld [tilespmem:s23+$0x1A5E0];
	_ =	sdelay $0x6  }
0x42: {  	v1 =	vld [tilespmem:s23+$0x1BEE0]  }
0x43: {  	v0 =	vld.idx.msk [tilespmem:v0+s3+$0x0], $0xffff;
	_ =	sdelay $0x4  }
0x44: {  	v0 =	vsub.f32 v1, v0;
	_ =	sdelay $0x1  }
0x45: {  	v0 =	vmul.f32 $1.442695020e+00, v0;
	_ =	sdelay $0x1  }
0x46: {  	(erf) = vpow2.f32 v0;
	_ =	sdelay $0x1  }
0x47: {  	s25 =	simm.s32 $0x10;
	s24 =	simm.s32 $0x80  }
.LBB2_7:
0x48: {  	p0 =	sne.s32 s24, $0x63C0;
	v0 =	vld [tilespmem:s25+$0x1A5E0];
	_ =	sdelay $0x5  }
0x49: {  	v1 =	vpop (erf)  }
0x4a: {  	[tilespmem:s23+$0x1D7E0] =	vst v1;
	s23 =	smov.u32 s25  }
0x4b: {  	v0 =	vld.idx.msk [tilespmem:v0+s3+$0x0], $0xffff  }
0x4c: {  	v1 =	vld [tilespmem:s23+$0x1BEE0];
	_ =	sdelay $0x4  }
0x4d: {  	v0 =	vsub.f32 v1, v0;
	_ =	sdelay $0x1  }
.Ltmp2:
0x4e: {  	v0 =	vmul.f32 $1.442695020e+00, v0;
	(pc) =	sbr.rel @p0 .LBB2_7-.Ltmp2, $3  }
0x4f: {  	_ = 	snop  }
0x50: {  	(erf) = vpow2.f32 v0;
	_ =	sdelay $0x1  }
0x51: {  	s25 =	sshra.s32 s24, $0x2;
	s24 =	sadd.s32 $0x40, s24  }
0x52: {  	v0 =	vld [tilespmem:s25+$0x1A5E0];
	_ =	sdelay $0x5  }
0x53: {  	v1 =	vpop (erf)  }
0x54: {  	[tilespmem:s23+$0x1D7E0] =	vst v1  }
0x55: {  	v0 =	vld.idx.msk [tilespmem:v0+s3+$0x0], $0xffff  }
0x56: {  	v1 =	vld [tilespmem:s25+$0x1BEE0];
	_ =	sdelay $0x4  }
0x57: {  	v0 =	vsub.f32 v1, v0;
	_ =	sdelay $0x1  }
0x58: {  	v0 =	vmul.f32 $1.442695020e+00, v0;
	_ =	sdelay $0x1  }
0x59: {  	(erf) = vpow2.f32 v0;
	_ =	sdelay $0x7  }
0x5a: {  	s21 =	sadd.s32 $0x1, s21  }
0x5b: {  	p0 =	sne.s32 s21, $0xFA;
	v0 =	vpop (erf)  }
.Ltmp3:
0x5c: {  	s22 =	sadd.s32 s8, s22;
	[tilespmem:s25+$0x1D7E0] =	vst v0;
	(pc) =	sbr.rel @p0 .LBB2_6-.Ltmp3, $4  }
0x5d: {  	[hbm4b:s22+s3] =	stream.linear.scatter [tilespmem:s18], [sflag:$0x1], $0x1900, $0x38;
	[tilespmem:$0x1F0E0] =	vst v63  }
0x5e: {  	_ =	swait.ge [sflag:s12], $0x1900  }
0x5f: {  	[sflag:s12] =	ssyncset.done $0x0  }
0x60: {  	[sflag:s12] =	ssyncadd.s32 $0xFFFFE700  }
0x61: {  	s19 =	sadd.s32 $0x1, s19  }
0x62: {  	p0 =	sne.s32 s19, s10  }
.Ltmp4:
0x63: {  	_ = 	snop;
	(pc) =	sbr.rel @p0 .LBB2_1-.Ltmp4, $1  }
0x64: {  	_ =	sdelay $0x3  }
0x65: {  	_ =	sfence.sel $0x180000  }
0x66: {  	[bflag:$0x0] =	sbarrier.arrive $0xFFFF  }
0x67: {  	p0 =	sne.s32 s1, $0x0;
	_ =	strace $0x90000050  }
0x68: {  	s0 =	sadd.s32 @!p0 $0x100000, s0;
	[bflag:$0x2] =	sbarrier.arrive $0xFFFF  }
0x69: {  	[sflag:s0] =	ssyncadd.tile.s32 @!p0 $0x1;
	_ =	shalt  }
.Lfunc_end2:
_tile_overlayer_lowered:
.L_overlay_start_2:
0x6a: {  	(tag) =	ssettag $0x2  }
0x6b: {  	s0 =	rddreg [dreg:$0x0];
	s2 =	stileid.u32  }
0x6c: {  	s1 =	rddreg [dreg:$0x1];
	p0 =	sne.s32 s2, $0x0  }
0x6d: {  	s3 =	rddreg [dreg:$0x2];
	[bflag:$0x3] =	sbarrier.arrive $0xFFFF;
	s2 =	simm.s32 @!p0 $0x1C01  }
0x6e: {  	[timem:s3], [sflag:s2] =	dma.local @!p0 [hbm:s0], s1  }
0x6f: {  	s0 =	simm.s32 @!p0 $0x1  }
0x70: {  	_ =	swait.ge @!p0 [sflag:s0], s1  }
0x71: {  	s1 =	ssub.s32 @!p0 $0x0, s1;
	[sflag:s0] =	ssyncset.done @!p0 $0x0  }
0x72: {  	[sflag:s0] =	ssyncadd.s32 @!p0 s1  }
0x73: {  	[bflag:$0x3] =	sbarrier.arrive $0xFFFF  }
0x74: {  	_ =	shalt  }

// kernel: sparse-core-data-format-call.1.cloned.1.call-start
scs
called_computation.1_lowered:
.L_overlay_start_0:
0x0: {  	s2 =	sld [smem:$0x3FD9]  }
0x1: {  	s3 =	sld [smem:$0x3FFE];
	_ =	sdelay $0x1  }
0x2: {  	s1 =	srdreg.scid  }
0x3: {  	s0 =	sand.u32 $0x1, s1  }
0x4: {  	s15 =	sshll.u32 s0, $0xA;
	s2 =	sadd.s32 s3, s2  }
0x5: {  	s2 =	sadd.s32 s2, s15  }
0x6: {  	[smem:$0x3FC6] =	sst s2  }
0x7: {  	_ = 	snop  }
0x8: {  	s2 =	sld [smem:$0x3FD0];
	_ =	sdelay $0x2  }
0x9: {  	s16 =	simm.s32 $0xB;
	s4 =	simm.s32 $0x10  }
0xa: {  	[smem:s4], [sflag:s16] =	dma.local [hbm:s2], $0x1  }
0xb: {  	_ =	swait.eq [sflag:s16], $0x1  }
0xc: {  	[sflag:s16] =	ssyncset.done $0x0  }
0xd: {  	[sflag:s16] =	ssyncadd.s32 $0xFFFFFFFF  }
0xe: {  	s17 =	sld [smem:$0x10];
	(tm) =	ssettm $0x1  }
0xf: {  	s18 =	sld [smem:$0x3FFB];
	_ =	sdelay $0x3  }
0x10: {  	_ =	strace s18  }
0x11: {  	s3 =	sld [smem:$0x3FFC];
	_ =	sdelay $0x3  }
0x12: {  	_ =	strace s3  }
0x13: {  	s3 =	sld [smem:$0x3FFD];
	_ =	sdelay $0x3  }
0x14: {  	_ =	strace s3  }
0x15: {  	_ =	strace $0x8FFFFFFF  }
0x16: {  	s19 =	sld [smem:$0x3FDB];
	_ =	sdelay $0x1  }
0x17: {  	s20 =	simm.s32 $_scs_section_size  }
0x18: {  	s5 =	simm.s32 $_size__tile_overlayer_lowered;
	s6 =	simm.s32 $_tile_overlayer_lowered  }
0x19: {  	s23 =	simm.s32 $0x1BFF;
	s22 =	sshll.u32 s6, $0x1;
	s3 =	sadd.s32 s20, s19  }
0x1a: {  	s7 =	simm.s32 $0x0;
	s21 =	sshll.u32 s5, $0x1;
	s5 =	sadd.s32 s22, s3  }
0x1b: {  	[timem:s7], [sflag:s23] =	dma.local [hbm:s5], s21  }
0x1c: {  	_ =	swait.ge [sflag:s23], s21  }
0x1d: {  	s4 =	ssub.s32 $0x0, s21;
	[sflag:s23] =	ssyncset.done $0x0  }
0x1e: {  	[sflag:s23] =	ssyncadd.s32 s4;
	_ =	sdelay $0x1  }
0x1f: {  	s24 =	simm.s32 $0x1B8B  }
0x20: {  	_ =	swait.ge [sflag:s24], $0x1  }
0x21: {  	[sflag:s24] =	ssyncset.done $0x0  }
0x22: {  	s26 =	simm.s32 $0x1B8E;
	s25 =	sld [smem:$0x3FFE];
	[sflag:s24] =	ssyncadd.s32 $0xFFFFFFFF  }
0x23: {  	s27 =	simm.s32 $execute0_lowered;
	[smem:$0x3FD2] =	sst s26  }
0x24: {  	s5 =	sshll.u32 s27, $0x1;
	_ =	strace $0x80000049;
	[dreg:$0x1] =	wrdreg $0xFFFFFFFF  }
0x25: {  	s28 =	simm.s32 $_size_execute0_lowered;
	s3 =	sadd.s32 s3, s5;
	[dreg:$0x0] =	wrdreg $0x0  }
0x26: {  	s5 =	sshll.u32 s28, $0x1;
	[dreg:$0x2] =	wrdreg s3  }
0x27: {  	[dreg:$0x3] =	wrdreg s5  }
0x28: {  	[dreg:$0x4] =	wrdreg $0xC0  }
0x29: {  	_ =	task [dreg:s7], $0x5FFFF  }
0x2a: {  	[dreg:$0x1] =	wrdreg $0xFFFFFFFF  }
0x2b: {  	[dreg:$0x0] =	wrdreg $0x60  }
0x2c: {  	[dreg:$0x2] =	wrdreg s25  }
0x2d: {  	[dreg:$0x3] =	wrdreg s17  }
0x2e: {  	[dreg:$0x4] =	wrdreg $0x9  }
0x2f: {  	_ =	task.clear_ibuf [dreg:s7], $0x5FFFF;
	_ =	strace $0x90000049  }
0x30: {  	s29 =	simm.s32 $0x9;
	_ =	strace $0x8000004B  }
0x31: {  	_ =	swait.ge [sflag:s29], $0x1  }
0x32: {  	[sflag:s29] =	ssyncadd.s32 $0xFFFFFFFF  }
0x33: {  	_ =	strace $0x9000004B  }
0x34: {  	_ =	sfence  }
0x35: {  	s30 =	sld [smem:$0x0];
	_ =	sdelay $0x2  }
0x36: {  	s31 =	sshll.u32 s1, $0xD;
	s1 =	sshrl.u32 s1, $0x2  }
0x37: {  	s3 =	sand.u32 $0x4000, s31;
	s1 =	sadd.s32 s1, s30  }
0x38: {  	s0 =	sor.u32 s3, s0;
	s1 =	sshll.u32 s1, $0x11  }
0x39: {  	s0 =	sor.u32 s1, s0  }
0x3a: {  	s0 =	sadd.s32 $0x8F2B, s0  }
0x3b: {  	[sflag:s0] =	ssyncadd.remote.s32 $0x1  }
0x3c: {  	_ =	sfence.sel $0xFFFF  }
0x3d: {  	[dreg:$0x0] =	wrdreg $0xFFFFFFFF;
	(pc) =	sbr.abs _section_cstart, $3  }
0x3e: {  	[dreg:$0x1] =	wrdreg $0xFFFFFFFF  }
0x3f: {  	_ =	task.clear_ibuf [dreg:s7], $0x2FFFF;
	_ =	strace $0x9FFFFFFF  }
0x40: {  	(tm) =	ssettm $0x7FFFFFFF  }
0x41: {  	_ =	shalt  }
tec
execute0_lowered:
.L_overlay_start_1:
0x0: {  	(tag) =	ssettag $0x1  }
0x1: {  	s0 =	srdreg.scid  }
0x2: {  	s5 =	rddreg [dreg:$0x0];
	s1 =	sshll.u32 s0, $0x4  }
0x3: {  	s2 =	rddreg [dreg:$0x1];
	s0 =	stileid.u32;
	s1 =	sand.u32 $0x10, s1  }
0x4: {  	s4 =	simm.s32 $0x1;
	s8 =	simm.s32 $0x2;
	s1 =	sor.u32 s0, s1  }
0x5: {  	s13 =	simm.s32 $0x0;
	s9 =	simm.s32 $0x61A800;
	s3 =	sshll.u32 s1, $0x4  }
0x6: {  	s10 =	simm.s32 $0x0;
	s12 =	simm.s32 $0x0;
	s6 =	ssub.s32 $0xC350, s3  }
.Ltmp0:
0x7: {  	s5 =	sadd.s32 $0x1E00, s5;
	s7 =	sand.u32 $0x1F0, s6;
	(pc) =	sbr.rel .LBB1_1-.Ltmp0, $4  }
0x8: {  	s1 =	rddreg [dreg:$0x2];
	p0 =	sne.s32 s7, $0x0;
	s7 =	simm.s32 $0x1  }
0x9: {  	_ =	strace $0x8000004A;
	s6 =	sshrl.u32 s6, $0x9;
	s7 =	simm.s32 @!p0 $0x0  }
0xa: {  	[sflag:s4] =	ssyncpa.u1 $0x0;
	s11 =	smov.u32 s3;
	s6 =	sadd.s32 s7, s6  }
0xb: {  	[sflag:s8] =	ssyncpa.u1 $0x0;
	s8 =	simm.s32 $0x800;
	s7 =	sadd.s32 $0x1, s6  }
.LBB1_7:
0xc: {  	s15 =	sadd.s32 $0x200, s11  }
0xd: {  	p1 =	sgt.s32 s15, $0xC34F  }
0xe: {  	s15 =	smov.u32 @p1 s3;
	p1 =	sne.s32 s12, s7  }
.Ltmp1:
0xf: {  	p0 =	slt.u32 s12, $0x2;
	(pc) =	sbr.rel @!p1 .LBB1_8-.Ltmp1, $4  }
0x10: {  	s14 =	simm.s32 @!p0 $0x2  }
0x11: {  	s16 =	sadd.s32 $0x1, s12;
	_ =	swait.ge @!p0 [sflag:s14], $0x4000  }
0x12: {  	s13 =	smov.u32 s11;
	s10 =	sadd.s32 $0x4000, s10;
	[sflag:s14] =	ssyncset.done @!p0 $0x0  }
0x13: {  	s12 =	smov.u32 s16;
	s11 =	smov.u32 s15;
	[sflag:s14] =	ssyncadd.s32 @!p0 $0xFFFFC000  }
.LBB1_1:
0x14: {  	p0 =	sge.u32 s12, s6  }
0x15: {  	s14 =	sxor.u32 @!p0 $0xFFFFFFFF, s12  }
0x16: {  	s31 =	sadd.s32 $0xFFFFFFFF, s12;
	s15 =	sshll.u32 @!p0 s11, $0x7;
	s14 =	sshll.u32 @!p0 s14, $0xE  }
0x17: {  	s16 =	simm.s32 @!p0 $0x0;
	s15 =	sadd.s32 @!p0 s5, s15;
	s14 =	sand.u32 @!p0 $0x4000, s14  }
0x18: {  	[tilespmem:s14], [sflag:$0x1] =	stream.linear.gather @!p0 [hbm4b:s15+s16], $0x4000, $0x38;
	[tilespmem:$0x10000] =	vst v63  }
0x19: {  	p0 =	sge.u32 s31, s6  }
.Ltmp2:
0x1a: {  	_ = 	snop;
	(pc) =	sbr.rel @p0 .LBB1_7-.Ltmp2, $1  }
0x1b: {  	_ =	sdelay $0x3  }
0x1c: {  	s14 =	sand.u32 $0x4000, s10  }
0x1d: {  	_ =	swait.ge [sflag:s4], $0x4000;
	s17 =	sshll.u32 s12, $0xE;
	s15 =	sor.u32 $0x8040, s14  }
0x1e: {  	s16 =	sor.u32 $0x40, s14;
	[sflag:s4] =	ssyncset.done $0x0;
	s31 =	sand.u32 $0x4000, s17  }
0x1f: {  	s17 =	simm.s32 $0x0;
	[sflag:s4] =	ssyncadd.s32 $0xFFFFC000;
	s14 =	sor.u32 $0x8000, s31  }
.LBB1_3:
0x20: {  	v0 =	vmov s16;
	_ =	sdelay $0x3  }
0x21: {  	s19 =	simm.s32 $0x0  }
0x22: {  	v6 =	vld.idx.msk [tilespmem:v0+s19+$0x30 ss:$0x1], $0xffff  }
0x23: {  	v7 =	vld.idx.msk [tilespmem:v0+s19+$0xFFFFFFC0 ss:$0x1], $0xffff  }
0x24: {  	v5 =	vld.idx.msk [tilespmem:v0+s19+$0xFFFFFFD0 ss:$0x1], $0xffff  }
0x25: {  	v4 =	vld.idx.msk [tilespmem:v0+s19+$0xFFFFFFE0 ss:$0x1], $0xffff  }
0x26: {  	v3 =	vld.idx.msk [tilespmem:v0+s19+$0xFFFFFFF0 ss:$0x1], $0xffff  }
0x27: {  	v1 =	vld.idx.msk [tilespmem:v0+s19+$0x0 ss:$0x1], $0xffff  }
0x28: {  	v2 =	vld.idx.msk [tilespmem:v0+s19+$0x10 ss:$0x1], $0xffff;
	[tilespmem:s15+$0x30] =	vst v6  }
0x29: {  	s18 =	simm.s32 $0x80;
	s20 =	simm.s32 $0x400;
	[tilespmem:s15+$0xFFFFFFC0] =	vst v7;
	v6 =	vld.idx.msk [tilespmem:v0+s19+$0x20 ss:$0x1], $0xffff;
	s19 =	smov.u32 s15  }
.LBB1_4:
0x2a: {  	p0 =	sne.s32 s20, $0xE00;
	v7 =	vld.idx.msk [tilespmem:v0+s18+$0x30 ss:$0x1], $0xffff;
	[tilespmem:s19+$0xFFFFFFD0] =	vst v5  }
0x2b: {  	v8 =	vld.idx.msk [tilespmem:v0+s18+$0xFFFFFFC0 ss:$0x1], $0xffff;
	[tilespmem:s19+$0xFFFFFFE0] =	vst v4  }
0x2c: {  	v5 =	vld.idx.msk [tilespmem:v0+s18+$0xFFFFFFD0 ss:$0x1], $0xffff;
	[tilespmem:s19+$0xFFFFFFF0] =	vst v3  }
.Ltmp3:
0x2d: {  	v4 =	vld.idx.msk [tilespmem:v0+s18+$0xFFFFFFE0 ss:$0x1], $0xffff;
	[tilespmem:s19+$0x0] =	vst v1;
	(pc) =	sbr.rel @p0 .LBB1_4-.Ltmp3, $4  }
0x2e: {  	v3 =	vld.idx.msk [tilespmem:v0+s18+$0xFFFFFFF0 ss:$0x1], $0xffff;
	[tilespmem:s19+$0x10] =	vst v2  }
0x2f: {  	v1 =	vld.idx.msk [tilespmem:v0+s18+$0x0 ss:$0x1], $0xffff;
	[tilespmem:s19+$0x20] =	vst v6;
	s19 =	sadd.s32 $0x800, s19  }
0x30: {  	v2 =	vld.idx.msk [tilespmem:v0+s18+$0x10 ss:$0x1], $0xffff;
	[tilespmem:s19+$0x30] =	vst v7  }
0x31: {  	[tilespmem:s19+$0xFFFFFFC0] =	vst v8;
	v6 =	vld.idx.msk [tilespmem:v0+s18+$0x20 ss:$0x1], $0xffff;
	s18 =	sshra.s32 s20, $0x2;
	s20 =	sadd.s32 $0x200, s20  }
0x32: {  	_ =	sdelay $0x2  }
0x33: {  	[tilespmem:s19+$0xFFFFFFD0] =	vst v5  }
0x34: {  	v56 =	vld.idx.msk [tilespmem:v0+s18+$0x30 ss:$0x1], $0xffff;
	[tilespmem:s19+$0xFFFFFFE0] =	vst v4  }
0x35: {  	v57 =	vld.idx.msk [tilespmem:v0+s18+$0xFFFFFFC0 ss:$0x1], $0xffff;
	[tilespmem:s19+$0xFFFFFFF0] =	vst v3  }
0x36: {  	v58 =	vld.idx.msk [tilespmem:v0+s18+$0xFFFFFFD0 ss:$0x1], $0xffff;
	[tilespmem:s19+$0x0] =	vst v1  }
0x37: {  	v59 =	vld.idx.msk [tilespmem:v0+s18+$0xFFFFFFE0 ss:$0x1], $0xffff;
	[tilespmem:s19+$0x10] =	vst v2  }
0x38: {  	v60 =	vld.idx.msk [tilespmem:v0+s18+$0xFFFFFFF0 ss:$0x1], $0xffff;
	s31 =	sadd.s32 $0x800, s19;
	[tilespmem:s19+$0x20] =	vst v6  }
0x39: {  	v61 =	vld.idx.msk [tilespmem:v0+s18+$0x0 ss:$0x1], $0xffff;
	[tilespmem:s31+$0x30] =	vst v56  }
0x3a: {  	v62 =	vld.idx.msk [tilespmem:v0+s18+$0x10 ss:$0x1], $0xffff;
	s17 =	sadd.s32 $0x1, s17;
	[tilespmem:s31+$0xFFFFFFC0] =	vst v57  }
0x3b: {  	v63 =	vld.idx.msk [tilespmem:v0+s18+$0x20 ss:$0x1], $0xffff;
	p0 =	sne.s32 s17, $0x10;
	[tilespmem:s31+$0xFFFFFFD0] =	vst v58  }
.Ltmp4:
0x3c: {  	[tilespmem:s31+$0xFFFFFFE0] =	vst v59;
	(pc) =	sbr.rel @p0 .LBB1_3-.Ltmp4, $4  }
0x3d: {  	[tilespmem:s31+$0xFFFFFFF0] =	vst v60  }
0x3e: {  	[tilespmem:s31+$0x0] =	vst v61  }
0x3f: {  	[tilespmem:s31+$0x10] =	vst v62  }
0x40: {  	s15 =	sadd.s32 $0x80, s15;
	s16 =	sadd.s32 $0x400, s16;
	[tilespmem:s31+$0x20] =	vst v63  }
0x41: {  	s13 =	sand.u32 $0x1FFFFFF, s13  }
0x42: {  	s15 =	smulhi.u32 $0x14F8B59, s13;
	_ =	sdelay $0x1  }
0x43: {  	s15 =	sshrl.u32 s15, $0x8  }
0x44: {  	s15 =	smul.u32 $0xC350, s15  }
.Ltmp5:
0x45: {  	_ = 	snop;
	(pc) =	sbr.rel .LBB1_7-.Ltmp5, $4  }
0x46: {  	s13 =	ssub.s32 s13, s15  }
0x47: {  	s13 =	sshll.u32 s13, $0x4  }
0x48: {  	s13 =	sadd.s32 s2, s13  }
0x49: {  	[hbm4b:s13+s8] =	stream.strided.scatter [tilespmem:s14], [sflag:$0x2], $0x4000, s9, s8, $0x38;
	[tilespmem:$0x10000] =	vst v63  }
.LBB1_8:
0x4a: {  	_ =	sfence.sel $0x180000  }
0x4b: {  	s2 =	simm.s32 $0x1;
	[bflag:$0x0] =	sbarrier.arrive $0xFFFF  }
0x4c: {  	s31 =	simm.s32 $0x2;
	[sflag:s2] =	ssyncpa.u1 $0x1  }
0x4d: {  	[sflag:s31] =	ssyncpa.u1 $0x1  }
0x4e: {  	p0 =	sne.s32 s0, $0x0;
	_ =	strace $0x9000004A  }
0x4f: {  	s0 =	sadd.s32 @!p0 $0x100000, s1;
	[bflag:$0x2] =	sbarrier.arrive $0xFFFF  }
0x50: {  	[sflag:s0] =	ssyncadd.tile.s32 @!p0 $0x1;
	_ =	shalt  }
.Lfunc_end1:
_tile_overlayer_lowered:
.L_overlay_start_2:
0x51: {  	(tag) =	ssettag $0x2  }
0x52: {  	s0 =	rddreg [dreg:$0x0];
	s2 =	stileid.u32  }
0x53: {  	s1 =	rddreg [dreg:$0x1];
	p0 =	sne.s32 s2, $0x0  }
0x54: {  	s3 =	rddreg [dreg:$0x2];
	[bflag:$0x3] =	sbarrier.arrive $0xFFFF;
	s2 =	simm.s32 @!p0 $0x1C01  }
0x55: {  	[timem:s3], [sflag:s2] =	dma.local @!p0 [hbm:s0], s1  }
0x56: {  	s0 =	simm.s32 @!p0 $0x1  }
0x57: {  	_ =	swait.ge @!p0 [sflag:s0], s1  }
0x58: {  	s1 =	ssub.s32 @!p0 $0x0, s1;
	[sflag:s0] =	ssyncset.done @!p0 $0x0  }
0x59: {  	[sflag:s0] =	ssyncadd.s32 @!p0 s1  }
0x5a: {  	[bflag:$0x3] =	sbarrier.arrive $0xFFFF  }
0x5b: {  	_ =	shalt  }

// kernel: sparse-core-data-format-call.2.cloned.1.call-start
scs
called_computation.2_lowered:
.L_overlay_start_0:
0x0: {  	s2 =	sld [smem:$0x3FD9]  }
0x1: {  	s3 =	sld [smem:$0x3FFE];
	_ =	sdelay $0x1  }
0x2: {  	s1 =	srdreg.scid  }
0x3: {  	s0 =	sand.u32 $0x1, s1  }
0x4: {  	s18 =	sshll.u32 s0, $0xA;
	s2 =	sadd.s32 s3, s2  }
0x5: {  	s2 =	sadd.s32 s2, s18  }
0x6: {  	[smem:$0x3FC6] =	sst s2  }
0x7: {  	_ = 	snop  }
0x8: {  	s2 =	sld [smem:$0x3FC9];
	(tm) =	ssettm $0x1  }
0x9: {  	s19 =	sld [smem:$0x3FFB];
	_ =	sdelay $0x3  }
0xa: {  	_ =	strace s19  }
0xb: {  	s3 =	sld [smem:$0x3FFC];
	_ =	sdelay $0x3  }
0xc: {  	_ =	strace s3  }
0xd: {  	s3 =	sld [smem:$0x3FFD];
	_ =	sdelay $0x3  }
0xe: {  	_ =	strace s3  }
0xf: {  	_ =	strace $0x8FFFFFFF  }
0x10: {  	s20 =	sld [smem:$0x3FDB];
	_ =	sdelay $0x1  }
0x11: {  	s4 =	simm.s32 $_scs_section_size  }
0x12: {  	s5 =	simm.s32 $_size__tile_overlayer_lowered;
	s6 =	simm.s32 $_tile_overlayer_lowered  }
0x13: {  	s23 =	simm.s32 $0x1BFF;
	s22 =	sshll.u32 s6, $0x1;
	s3 =	sadd.s32 s4, s20  }
0x14: {  	s7 =	simm.s32 $0x0;
	s21 =	sshll.u32 s5, $0x1;
	s5 =	sadd.s32 s22, s3  }
0x15: {  	[timem:s7], [sflag:s23] =	dma.local [hbm:s5], s21  }
0x16: {  	_ =	swait.ge [sflag:s23], s21  }
0x17: {  	s4 =	ssub.s32 $0x0, s21;
	[sflag:s23] =	ssyncset.done $0x0  }
0x18: {  	[sflag:s23] =	ssyncadd.s32 s4;
	_ =	sdelay $0x1  }
0x19: {  	s24 =	simm.s32 $0x1B8B  }
0x1a: {  	_ =	swait.ge [sflag:s24], $0x1  }
0x1b: {  	[sflag:s24] =	ssyncset.done $0x0  }
0x1c: {  	s26 =	simm.s32 $0x1B8E;
	s25 =	sld [smem:$0x3FFE];
	[sflag:s24] =	ssyncadd.s32 $0xFFFFFFFF  }
0x1d: {  	s27 =	simm.s32 $execute0_lowered;
	[smem:$0x3FD2] =	sst s26  }
0x1e: {  	s5 =	sshll.u32 s27, $0x1;
	_ =	strace $0x80000046;
	[dreg:$0x1] =	wrdreg $0xFFFFFFFF  }
0x1f: {  	s28 =	simm.s32 $_size_execute0_lowered;
	s3 =	sadd.s32 s3, s5;
	[dreg:$0x0] =	wrdreg $0x0  }
0x20: {  	s5 =	sshll.u32 s28, $0x1;
	[dreg:$0x2] =	wrdreg s3  }
0x21: {  	[dreg:$0x3] =	wrdreg s5  }
0x22: {  	[dreg:$0x4] =	wrdreg $0xC0  }
0x23: {  	_ =	task [dreg:s7], $0x5FFFF  }
0x24: {  	[dreg:$0x1] =	wrdreg $0xFFFFFFFF  }
0x25: {  	[dreg:$0x0] =	wrdreg $0x60  }
0x26: {  	[dreg:$0x2] =	wrdreg s2  }
0x27: {  	[dreg:$0x3] =	wrdreg s25  }
0x28: {  	[dreg:$0x4] =	wrdreg $0x9  }
0x29: {  	_ =	task.clear_ibuf [dreg:s7], $0x5FFFF;
	_ =	strace $0x90000046  }
0x2a: {  	s29 =	simm.s32 $0x9;
	_ =	strace $0x80000048  }
0x2b: {  	_ =	swait.ge [sflag:s29], $0x1  }
0x2c: {  	[sflag:s29] =	ssyncadd.s32 $0xFFFFFFFF  }
0x2d: {  	_ =	strace $0x90000048  }
0x2e: {  	_ =	sfence  }
0x2f: {  	s30 =	sld [smem:$0x0];
	_ =	sdelay $0x2  }
0x30: {  	s31 =	sshll.u32 s1, $0xD;
	s1 =	sshrl.u32 s1, $0x2  }
0x31: {  	s3 =	sand.u32 $0x4000, s31;
	s1 =	sadd.s32 s1, s30  }
0x32: {  	s0 =	sor.u32 s3, s0;
	s1 =	sshll.u32 s1, $0x11  }
0x33: {  	s0 =	sor.u32 s1, s0  }
0x34: {  	s0 =	sadd.s32 $0x8F2B, s0  }
0x35: {  	[sflag:s0] =	ssyncadd.remote.s32 $0x1  }
0x36: {  	_ =	sfence.sel $0xFFFF  }
0x37: {  	[dreg:$0x0] =	wrdreg $0xFFFFFFFF;
	(pc) =	sbr.abs _section_cstart, $3  }
0x38: {  	[dreg:$0x1] =	wrdreg $0xFFFFFFFF  }
0x39: {  	_ =	task.clear_ibuf [dreg:s7], $0x2FFFF;
	_ =	strace $0x9FFFFFFF  }
0x3a: {  	(tm) =	ssettm $0x7FFFFFFF  }
0x3b: {  	_ =	shalt  }
tec
execute0_lowered:
.L_overlay_start_1:
0x0: {  	(tag) =	ssettag $0x1  }
0x1: {  	s0 =	srdreg.scid  }
0x2: {  	s2 =	rddreg [dreg:$0x0];
	s1 =	sshll.u32 s0, $0x4  }
0x3: {  	s5 =	rddreg [dreg:$0x1];
	s0 =	stileid.u32;
	s1 =	sand.u32 $0x10, s1  }
0x4: {  	s4 =	simm.s32 $0x1;
	s8 =	simm.s32 $0x2;
	s1 =	sor.u32 s0, s1  }
0x5: {  	s11 =	simm.s32 $0x0;
	s12 =	simm.s32 $0x0;
	s3 =	sshll.u32 s1, $0xB  }
0x6: {  	s9 =	simm.s32 $0x0;
	s10 =	simm.s32 $0x0;
	s6 =	ssub.s32 $0x61A800, s3  }
.Ltmp0:
0x7: {  	s1 =	rddreg [dreg:$0x2];
	s7 =	sand.u32 $0xF800, s6;
	(pc) =	sbr.rel .LBB1_1-.Ltmp0, $4  }
0x8: {  	_ =	strace $0x80000047;
	p0 =	sne.s32 s7, $0x0;
	s7 =	simm.s32 $0x1  }
0x9: {  	[sflag:s4] =	ssyncpa.u1 $0x0;
	s6 =	sshrl.u32 s6, $0x10;
	s7 =	simm.s32 @!p0 $0x0  }
0xa: {  	s5 =	sadd.s32 $0x1E00, s5;
	[sflag:s8] =	ssyncpa.u1 $0x0;
	s6 =	sadd.s32 s7, s6  }
0xb: {  	s8 =	smov.u32 s3;
	p0 =	por $0x0, $0x0;
	s7 =	sadd.s32 $0x1, s6  }
.LBB1_7:
0xc: {  	s13 =	sadd.s32 $0x10000, s8  }
0xd: {  	s11 =	sadd.s32 $0x8, s9;
	s15 =	smov.u32 s9;
	p2 =	sgt.s32 s13, $0x61A7FF  }
0xe: {  	s15 =	smov.u32 @p2 s11  }
0xf: {  	s13 =	smov.u32 @p2 s3;
	p2 =	sgt.s32 s15, $0x7  }
0x10: {  	s15 =	simm.s32 @p2 $0x0;
	p2 =	sne.s32 s10, s7  }
.Ltmp1:
0x11: {  	p1 =	slt.u32 s10, $0x2;
	(pc) =	sbr.rel @!p2 .LBB1_8-.Ltmp1, $4  }
0x12: {  	s14 =	simm.s32 @!p1 $0x2  }
0x13: {  	s12 =	smov.u32 s9;
	p0 =	por !p0, !p0;
	_ =	swait.ge @!p1 [sflag:s14], $0x4000  }
0x14: {  	s11 =	smov.u32 s8;
	[sflag:s14] =	ssyncset.done @!p1 $0x0;
	s8 =	smov.u32 s13  }
0x15: {  	s10 =	sadd.s32 $0x1, s10;
	[sflag:s14] =	ssyncadd.s32 @!p1 $0xFFFFC000;
	s9 =	smov.u32 s15  }
.LBB1_1:
0x16: {  	p1 =	sge.u32 s10, s6  }
0x17: {  	s13 =	sshrl.u32 @!p1 s8, $0xB  }
0x18: {  	s13 =	smulhi.u32 @!p1 $0x14F8B6, s13;
	_ =	sdelay $0x1  }
0x19: {  	s13 =	smul.u32 @!p1 $0x61A800, s13  }
0x1a: {  	s14 =	sxor.u32 @!p1 $0xFFFFFFFF, s10  }
0x1b: {  	s15 =	smul.u32 @!p1 $0xC3500, s9;
	s14 =	sshll.u32 @!p1 s14, $0xE;
	s13 =	ssub.s32 @!p1 s8, s13  }
0x1c: {  	s31 =	sadd.s32 $0xFFFFFFFF, s10;
	s14 =	sand.u32 @!p1 $0x4000, s14;
	s16 =	sand.u32 @!p1 $0x7, s13  }
0x1d: {  	s15 =	sadd.s32 @!p1 s2, s15;
	s13 =	sshrl.u32 @!p1 s13, $0x3;
	s16 =	sshll.u32 @!p1 s16, $0x12  }
0x1e: {  	s13 =	sadd.s32 @!p1 s13, s15;
	s15 =	sor.u32 @!p1 $0x800, s16;
	s16 =	simm.s32 @!p1 $0x61A800  }
0x1f: {  	[tilespmem:s14], [sflag:$0x1] =	stream.strided.gather @!p1 [hbm4b:s13+s15], $0x4000, s16, s15, $0x38;
	[tilespmem:$0x10000] =	vst v63  }
0x20: {  	p1 =	sge.u32 s31, s6  }
.Ltmp2:
0x21: {  	_ = 	snop;
	(pc) =	sbr.rel @p1 .LBB1_7-.Ltmp2, $1  }
0x22: {  	_ =	sdelay $0x3  }
0x23: {  	s13 =	simm.s32 $0x1;
	_ =	swait.ge [sflag:s4], $0x4000;
	s16 =	sshll.u32 s10, $0xE  }
0x24: {  	s13 =	simm.s32 @!p0 $0x0;
	[sflag:s4] =	ssyncset.done $0x0;
	s31 =	sand.u32 $0x4000, s16  }
0x25: {  	s16 =	simm.s32 $0x0;
	s13 =	sshll.u32 s13, $0xE;
	[sflag:s4] =	ssyncadd.s32 $0xFFFFC000  }
0x26: {  	s14 =	sor.u32 $0x100, s13;
	s15 =	sor.u32 $0x8800, s13;
	s13 =	sor.u32 $0x8000, s31  }
.LBB1_3:
0x27: {  	v0 =	vld [tilespmem:s14+$0xF0]  }
0x28: {  	v1 =	vld [tilespmem:s14+$0xFFFFFF10]  }
0x29: {  	v2 =	vld [tilespmem:s14+$0xFFFFFF20]  }
0x2a: {  	v3 =	vld [tilespmem:s14+$0xFFFFFF30]  }
0x2b: {  	v4 =	vld [tilespmem:s14+$0xFFFFFF40]  }
0x2c: {  	v5 =	vld [tilespmem:s14+$0xFFFFFF50];
	[tilespmem:s15+$0x470] =	vst v0  }
0x2d: {  	[tilespmem:s15+$0xFFFFF810] =	vst v1;
	v0 =	vld [tilespmem:s14+$0xFFFFFF60]  }
0x2e: {  	[tilespmem:s15+$0xFFFFF820] =	vst v2;
	v1 =	vld [tilespmem:s14+$0xFFFFFF70]  }
0x2f: {  	[tilespmem:s15+$0xFFFFF830] =	vst v3;
	v2 =	vld [tilespmem:s14+$0xFFFFFF80]  }
0x30: {  	[tilespmem:s15+$0xFFFFF840] =	vst v4;
	v3 =	vld [tilespmem:s14+$0xFFFFFF90]  }
0x31: {  	[tilespmem:s15+$0xFFFFF850] =	vst v5;
	v4 =	vld [tilespmem:s14+$0xFFFFFFA0]  }
0x32: {  	v5 =	vld [tilespmem:s14+$0xA0];
	[tilespmem:s15+$0xFFFFF860] =	vst v0  }
0x33: {  	v0 =	vld [tilespmem:s14+$0xFFFFFFB0];
	[tilespmem:s15+$0xFFFFF870] =	vst v1  }
0x34: {  	v1 =	vld [tilespmem:s14+$0xFFFFFFC0];
	[tilespmem:s15+$0xFFFFFC00] =	vst v2  }
0x35: {  	[tilespmem:s15+$0xFFFFFC10] =	vst v3;
	v3 =	vld [tilespmem:s14+$0xFFFFFFE0]  }
0x36: {  	[tilespmem:s15+$0xFFFFFC20] =	vst v4;
	v4 =	vld [tilespmem:s14+$0xFFFFFFF0]  }
0x37: {  	v2 =	vld [tilespmem:s14+$0xFFFFFFD0];
	[tilespmem:s15+$0x420] =	vst v5  }
0x38: {  	[tilespmem:s15+$0xFFFFFC30] =	vst v0;
	v0 =	vld [tilespmem:s14+$0x0]  }
0x39: {  	[tilespmem:s15+$0xFFFFFC40] =	vst v1;
	v1 =	vld [tilespmem:s14+$0x10]  }
0x3a: {  	[tilespmem:s15+$0xFFFFFC60] =	vst v3;
	v3 =	vld [tilespmem:s14+$0x30]  }
0x3b: {  	[tilespmem:s15+$0xFFFFFC70] =	vst v4;
	v4 =	vld [tilespmem:s14+$0x40]  }
0x3c: {  	[tilespmem:s15+$0xFFFFFC50] =	vst v2;
	v2 =	vld [tilespmem:s14+$0x20]  }
0x3d: {  	[tilespmem:s15+$0x0] =	vst v0;
	v0 =	vld [tilespmem:s14+$0x50]  }
0x3e: {  	[tilespmem:s15+$0x10] =	vst v1;
	v1 =	vld [tilespmem:s14+$0x60]  }
0x3f: {  	[tilespmem:s15+$0x30] =	vst v3;
	v3 =	vld [tilespmem:s14+$0x80]  }
0x40: {  	[tilespmem:s15+$0x40] =	vst v4;
	v4 =	vld [tilespmem:s14+$0x90]  }
0x41: {  	[tilespmem:s15+$0x20] =	vst v2;
	v2 =	vld [tilespmem:s14+$0x70]  }
0x42: {  	[tilespmem:s15+$0x50] =	vst v0;
	v0 =	vld [tilespmem:s14+$0xB0]  }
0x43: {  	[tilespmem:s15+$0x60] =	vst v1;
	v1 =	vld [tilespmem:s14+$0xC0]  }
0x44: {  	[tilespmem:s15+$0x400] =	vst v3;
	v3 =	vld [tilespmem:s14+$0xD0]  }
0x45: {  	[tilespmem:s15+$0x410] =	vst v4;
	v4 =	vld [tilespmem:s14+$0xE0]  }
0x46: {  	s18 =	simm.s32 $0x0;
	s19 =	sadd.s32 $0x200, s14;
	s17 =	smov.u32 s15;
	[tilespmem:s15+$0x70] =	vst v2;
	v2 =	vld [tilespmem:s14+$0xFFFFFF00]  }
.LBB1_4:
0x47: {  	v5 =	vld [tilespmem:s19+$0xF0];
	s18 =	sadd.s32 $0x200, s18;
	[tilespmem:s17+$0x430] =	vst v0  }
0x48: {  	v0 =	vld [tilespmem:s19+$0xFFFFFF10];
	p1 =	slt.u32 s18, $0x600;
	[tilespmem:s17+$0x440] =	vst v1  }
0x49: {  	v1 =	vld [tilespmem:s19+$0xFFFFFF20];
	[tilespmem:s17+$0x450] =	vst v3  }
0x4a: {  	v3 =	vld [tilespmem:s19+$0xFFFFFF30];
	[tilespmem:s17+$0x460] =	vst v4  }
0x4b: {  	v4 =	vld [tilespmem:s19+$0xFFFFFF40];
	[tilespmem:s17+$0xFFFFF800] =	vst v2;
	s17 =	sadd.s32 $0x1000, s17  }
0x4c: {  	v2 =	vld [tilespmem:s19+$0xFFFFFF50];
	[tilespmem:s17+$0x470] =	vst v5  }
0x4d: {  	[tilespmem:s17+$0xFFFFF810] =	vst v0;
	v0 =	vld [tilespmem:s19+$0xFFFFFF60]  }
0x4e: {  	[tilespmem:s17+$0xFFFFF820] =	vst v1;
	v1 =	vld [tilespmem:s19+$0xFFFFFF70]  }
0x4f: {  	[tilespmem:s17+$0xFFFFF830] =	vst v3;
	v3 =	vld [tilespmem:s19+$0xFFFFFF80]  }
0x50: {  	[tilespmem:s17+$0xFFFFF840] =	vst v4;
	v4 =	vld [tilespmem:s19+$0xFFFFFF90]  }
0x51: {  	[tilespmem:s17+$0xFFFFF850] =	vst v2;
	v2 =	vld [tilespmem:s19+$0xFFFFFFA0]  }
0x52: {  	[tilespmem:s17+$0xFFFFF860] =	vst v0;
	v0 =	vld [tilespmem:s19+$0xFFFFFFB0]  }
0x53: {  	[tilespmem:s17+$0xFFFFF870] =	vst v1;
	v1 =	vld [tilespmem:s19+$0xFFFFFFC0]  }
0x54: {  	[tilespmem:s17+$0xFFFFFC00] =	vst v3;
	v3 =	vld [tilespmem:s19+$0xFFFFFFD0]  }
0x55: {  	[tilespmem:s17+$0xFFFFFC10] =	vst v4;
	v4 =	vld [tilespmem:s19+$0xFFFFFFE0]  }
0x56: {  	[tilespmem:s17+$0xFFFFFC20] =	vst v2;
	v2 =	vld [tilespmem:s19+$0xFFFFFFF0]  }
0x57: {  	[tilespmem:s17+$0xFFFFFC30] =	vst v0;
	v0 =	vld [tilespmem:s19+$0x0]  }
0x58: {  	[tilespmem:s17+$0xFFFFFC40] =	vst v1;
	v1 =	vld [tilespmem:s19+$0x10]  }
0x59: {  	[tilespmem:s17+$0xFFFFFC50] =	vst v3;
	v3 =	vld [tilespmem:s19+$0x20]  }
0x5a: {  	[tilespmem:s17+$0xFFFFFC60] =	vst v4;
	v4 =	vld [tilespmem:s19+$0x30]  }
0x5b: {  	[tilespmem:s17+$0xFFFFFC70] =	vst v2;
	v2 =	vld [tilespmem:s19+$0x40]  }
0x5c: {  	[tilespmem:s17+$0x0] =	vst v0;
	v0 =	vld [tilespmem:s19+$0x50]  }
0x5d: {  	[tilespmem:s17+$0x10] =	vst v1;
	v1 =	vld [tilespmem:s19+$0x60]  }
0x5e: {  	[tilespmem:s17+$0x20] =	vst v3;
	v3 =	vld [tilespmem:s19+$0x70]  }
0x5f: {  	[tilespmem:s17+$0x30] =	vst v4;
	v4 =	vld [tilespmem:s19+$0x80]  }
0x60: {  	[tilespmem:s17+$0x40] =	vst v2;
	v2 =	vld [tilespmem:s19+$0x90]  }
0x61: {  	[tilespmem:s17+$0x50] =	vst v0;
	v5 =	vld [tilespmem:s19+$0xA0]  }
.Ltmp3:
0x62: {  	[tilespmem:s17+$0x60] =	vst v1;
	v0 =	vld [tilespmem:s19+$0xB0];
	(pc) =	sbr.rel @p1 .LBB1_4-.Ltmp3, $4  }
0x63: {  	[tilespmem:s17+$0x70] =	vst v3;
	v1 =	vld [tilespmem:s19+$0xC0]  }
0x64: {  	[tilespmem:s17+$0x400] =	vst v4;
	v3 =	vld [tilespmem:s19+$0xD0]  }
0x65: {  	[tilespmem:s17+$0x410] =	vst v2;
	v4 =	vld [tilespmem:s19+$0xE0]  }
0x66: {  	v2 =	vld [tilespmem:s19+$0xFFFFFF00];
	[tilespmem:s17+$0x420] =	vst v5;
	s19 =	sadd.s32 $0x200, s19  }
0x67: {  	s16 =	sadd.s32 $0x1, s16  }
0x68: {  	p1 =	sne.s32 s16, $0x8  }
.Ltmp4:
0x69: {  	[tilespmem:s17+$0x430] =	vst v0;
	(pc) =	sbr.rel @p1 .LBB1_3-.Ltmp4, $4  }
0x6a: {  	[tilespmem:s17+$0x440] =	vst v1  }
0x6b: {  	[tilespmem:s17+$0x450] =	vst v3  }
0x6c: {  	[tilespmem:s17+$0x460] =	vst v4  }
0x6d: {  	s14 =	sadd.s32 $0x800, s14;
	s15 =	sadd.s32 $0x80, s15;
	[tilespmem:s17+$0xFFFFF800] =	vst v2  }
0x6e: {  	s14 =	sshrl.u32 s12, $0x3  }
0x6f: {  	s15 =	sshll.u32 s11, $0x3;
	s14 =	smul.u32 $0x30D4000, s14  }
0x70: {  	s15 =	sand.u32 $0xFFFFFC00, s15  }
0x71: {  	s14 =	sadd.s32 s14, s15  }
0x72: {  	s15 =	sshrl.u32 s14, $0xB  }
0x73: {  	s27 =	sshll.u32 s12, $0x7;
	s15 =	smulhi.u32 $0x14F8B6, s15  }
0x74: {  	s28 =	sand.u32 $0x7F, s11;
	s12 =	sand.u32 $0x380, s27  }
0x75: {  	s11 =	sor.u32 s28, s12;
	s29 =	smul.u32 $0x61A800, s15  }
0x76: {  	s11 =	sor.u32 s14, s11  }
.Ltmp5:
0x77: {  	s30 =	sand.u32 $0x7, s15;
	s11 =	ssub.s32 s11, s29;
	(pc) =	sbr.rel .LBB1_7-.Ltmp5, $4  }
0x78: {  	s12 =	smul.u32 $0xC3500, s30;
	s31 =	sshrl.u32 s11, $0x3  }
0x79: {  	s14 =	sadd.s32 s5, s31  }
0x7a: {  	s11 =	sand.u32 $0x7, s11;
	s12 =	sadd.s32 s12, s14  }
0x7b: {  	[hbm4b:s12+s11] =	stream.linear.scatter [tilespmem:s13], [sflag:$0x2], $0x4000, $0x38;
	[tilespmem:$0x10000] =	vst v63  }
.LBB1_8:
0x7c: {  	_ =	sfence.sel $0x180000  }
0x7d: {  	s2 =	simm.s32 $0x1;
	[bflag:$0x0] =	sbarrier.arrive $0xFFFF  }
0x7e: {  	s31 =	simm.s32 $0x2;
	[sflag:s2] =	ssyncpa.u1 $0x1  }
0x7f: {  	[sflag:s31] =	ssyncpa.u1 $0x1  }
0x80: {  	p0 =	sne.s32 s0, $0x0;
	_ =	strace $0x90000047  }
0x81: {  	s0 =	sadd.s32 @!p0 $0x100000, s1;
	[bflag:$0x2] =	sbarrier.arrive $0xFFFF  }
0x82: {  	[sflag:s0] =	ssyncadd.tile.s32 @!p0 $0x1;
	_ =	shalt  }
.Lfunc_end1:
_tile_overlayer_lowered:
.L_overlay_start_2:
0x83: {  	(tag) =	ssettag $0x2  }
0x84: {  	s0 =	rddreg [dreg:$0x0];
	s2 =	stileid.u32  }
0x85: {  	s1 =	rddreg [dreg:$0x1];
	p0 =	sne.s32 s2, $0x0  }
0x86: {  	s3 =	rddreg [dreg:$0x2];
	[bflag:$0x3] =	sbarrier.arrive $0xFFFF;
	s2 =	simm.s32 @!p0 $0x1C01  }
0x87: {  	[timem:s3], [sflag:s2] =	dma.local @!p0 [hbm:s0], s1  }
0x88: {  	s0 =	simm.s32 @!p0 $0x1  }
0x89: {  	_ =	swait.ge @!p0 [sflag:s0], s1  }
0x8a: {  	s1 =	ssub.s32 @!p0 $0x0, s1;
	[sflag:s0] =	ssyncset.done @!p0 $0x0  }
0x8b: {  	[sflag:s0] =	ssyncadd.s32 @!p0 s1  }
0x8c: {  	[bflag:$0x3] =	sbarrier.arrive $0xFFFF  }
0x8d: {  	_ =	shalt  }

// kernel: sparse-core-data-format-call.cloned.1.call-start
scs
called_computation_lowered:
.L_overlay_start_0:
0x0: {  	s2 =	sld [smem:$0x3FD9]  }
0x1: {  	s3 =	sld [smem:$0x3FFE];
	_ =	sdelay $0x1  }
0x2: {  	s1 =	srdreg.scid  }
0x3: {  	s0 =	sand.u32 $0x1, s1  }
0x4: {  	s16 =	sshll.u32 s0, $0xA;
	s2 =	sadd.s32 s3, s2  }
0x5: {  	s2 =	sadd.s32 s2, s16  }
0x6: {  	[smem:$0x3FC6] =	sst s2  }
0x7: {  	_ = 	snop  }
0x8: {  	s2 =	sld [smem:$0x3FD0];
	_ =	sdelay $0x2  }
0x9: {  	s17 =	simm.s32 $0xB;
	s4 =	simm.s32 $0x10  }
0xa: {  	[smem:s4], [sflag:s17] =	dma.local [hbm:s2], $0x1  }
0xb: {  	_ =	swait.eq [sflag:s17], $0x1  }
0xc: {  	[sflag:s17] =	ssyncset.done $0x0  }
0xd: {  	[sflag:s17] =	ssyncadd.s32 $0xFFFFFFFF  }
0xe: {  	s18 =	sld [smem:$0x10];
	(tm) =	ssettm $0x1  }
0xf: {  	s19 =	sld [smem:$0x3FFB];
	_ =	sdelay $0x3  }
0x10: {  	_ =	strace s19  }
0x11: {  	s2 =	sld [smem:$0x3FFC];
	_ =	sdelay $0x3  }
0x12: {  	_ =	strace s2  }
0x13: {  	s2 =	sld [smem:$0x3FFD];
	_ =	sdelay $0x3  }
0x14: {  	_ =	strace s2  }
0x15: {  	_ =	strace $0x8FFFFFFF  }
0x16: {  	s20 =	sld [smem:$0x3FDB];
	_ =	sdelay $0x1  }
0x17: {  	s21 =	simm.s32 $_scs_section_size  }
0x18: {  	s5 =	simm.s32 $_size__tile_overlayer_lowered;
	s6 =	simm.s32 $_tile_overlayer_lowered  }
0x19: {  	s7 =	simm.s32 $0x1BFF;
	s22 =	sshll.u32 s6, $0x1;
	s4 =	sadd.s32 s21, s20  }
0x1a: {  	s23 =	simm.s32 $0x0;
	s5 =	sshll.u32 s5, $0x1;
	s6 =	sadd.s32 s22, s4  }
0x1b: {  	[timem:s23], [sflag:s7] =	dma.local [hbm:s6], s5  }
0x1c: {  	_ =	swait.ge [sflag:s7], s5  }
0x1d: {  	s5 =	ssub.s32 $0x0, s5;
	[sflag:s7] =	ssyncset.done $0x0  }
0x1e: {  	[sflag:s7] =	ssyncadd.s32 s5;
	_ =	sdelay $0x1  }
0x1f: {  	s24 =	simm.s32 $0x1B8B  }
0x20: {  	_ =	swait.ge [sflag:s24], $0x1  }
0x21: {  	[sflag:s24] =	ssyncset.done $0x0  }
0x22: {  	[sflag:s24] =	ssyncadd.s32 $0xFFFFFFFF  }
0x23: {  	s5 =	sld [smem:$0x0]  }
0x24: {  	s6 =	sand.u32 $0xFFFFFFFE, s1  }
0x25: {  	p0 =	sne.s32 s1, s6  }
0x26: {  	s6 =	sshll.u32 @p0 s6, $0xE  }
0x27: {  	s6 =	sadd.s32 @p0 $0x11B8D, s6;
	s7 =	sshll.u32 @p0 s5, $0x11  }
0x28: {  	s6 =	sor.u32 @p0 s7, s6  }
0x29: {  	[sflag:s6] =	ssyncadd.remote.s32 @p0 $0x1;
	_ =	sdelay $0x1  }
0x2a: {  	s6 =	simm.s32 @p0 $0x1B8D  }
0x2b: {  	_ =	swait.eq @p0 [sflag:s6], $0x1  }
0x2c: {  	[sflag:s6] =	ssyncadd.s32 @p0 $0xFFFFFFFF  }
0x2d: {  	s7 =	sshll.u32 @!p0 s1, $0xE  }
0x2e: {  	s7 =	sor.u32 @!p0 $0x4000, s7;
	s6 =	simm.s32 @!p0 $0x1B8D  }
0x2f: {  	s5 =	sshll.u32 @!p0 s5, $0x11;
	s7 =	sadd.s32 @!p0 $0x11B8D, s7;
	_ =	swait.eq @!p0 [sflag:s6], $0x1  }
0x30: {  	s5 =	sor.u32 @!p0 s5, s7;
	[sflag:s6] =	ssyncadd.s32 @!p0 $0xFFFFFFFF  }
0x31: {  	s26 =	simm.s32 $0x1B8E;
	s25 =	sld [smem:$0x3FFE];
	[sflag:s5] =	ssyncadd.remote.s32 @!p0 $0x1  }
0x32: {  	s27 =	simm.s32 $execute0_lowered;
	[smem:$0x3FD2] =	sst s26  }
0x33: {  	s6 =	sshll.u32 s27, $0x1;
	_ =	strace $0x80000058;
	[dreg:$0x1] =	wrdreg $0xFFFFFFFF  }
0x34: {  	s28 =	simm.s32 $_size_execute0_lowered;
	s4 =	sadd.s32 s4, s6;
	[dreg:$0x0] =	wrdreg $0x0  }
0x35: {  	s6 =	sshll.u32 s28, $0x1;
	[dreg:$0x2] =	wrdreg s4  }
0x36: {  	[dreg:$0x3] =	wrdreg s6  }
0x37: {  	[dreg:$0x4] =	wrdreg $0xC0  }
0x38: {  	_ =	task [dreg:s23], $0x5FFFF  }
0x39: {  	[dreg:$0x1] =	wrdreg $0xFFFFFFFF  }
0x3a: {  	[dreg:$0x0] =	wrdreg $0x60  }
0x3b: {  	[dreg:$0x2] =	wrdreg s25  }
0x3c: {  	[dreg:$0x3] =	wrdreg s18  }
0x3d: {  	[dreg:$0x4] =	wrdreg $0x9  }
0x3e: {  	_ =	task.clear_ibuf [dreg:s23], $0x5FFFF;
	_ =	strace $0x90000058  }
0x3f: {  	s29 =	simm.s32 $0x9;
	_ =	strace $0x8000005A  }
0x40: {  	_ =	swait.ge [sflag:s29], $0x1  }
0x41: {  	[sflag:s29] =	ssyncadd.s32 $0xFFFFFFFF  }
0x42: {  	_ =	strace $0x9000005A  }
0x43: {  	_ =	sfence  }
0x44: {  	s30 =	sld [smem:$0x0];
	_ =	sdelay $0x2  }
0x45: {  	s31 =	sshll.u32 s1, $0xD;
	s1 =	sshrl.u32 s1, $0x2  }
0x46: {  	s4 =	sand.u32 $0x4000, s31;
	s1 =	sadd.s32 s1, s30  }
0x47: {  	s0 =	sor.u32 s4, s0;
	s1 =	sshll.u32 s1, $0x11  }
0x48: {  	s0 =	sor.u32 s1, s0  }
0x49: {  	s0 =	sadd.s32 $0x8F2B, s0  }
0x4a: {  	[sflag:s0] =	ssyncadd.remote.s32 $0x1  }
0x4b: {  	_ =	sfence.sel $0xFFFF  }
0x4c: {  	[dreg:$0x0] =	wrdreg $0xFFFFFFFF;
	(pc) =	sbr.abs _section_cstart, $3  }
0x4d: {  	[dreg:$0x1] =	wrdreg $0xFFFFFFFF  }
0x4e: {  	_ =	task.clear_ibuf [dreg:s23], $0x2FFFF;
	_ =	strace $0x9FFFFFFF  }
0x4f: {  	(tm) =	ssettm $0x7FFFFFFF  }
tec
execute0_lowered:
.L_overlay_start_1:
0x0: {  	(tag) =	ssettag $0x1  }
0x1: {  	s0 =	srdreg.scid;
	s6 =	rddreg [dreg:$0x0]  }
0x2: {  	s3 =	rddreg [dreg:$0x1];
	s1 =	sshll.u32 s0, $0x4  }
0x3: {  	s7 =	simm.s32 $0x1;
	s0 =	stileid.u32;
	s1 =	sand.u32 $0x10, s1  }
0x4: {  	s8 =	simm.s32 $0x2;
	s12 =	simm.s32 $0x0;
	s1 =	sor.u32 s0, s1  }
0x5: {  	s13 =	simm.s32 $0x0;
	s10 =	simm.s32 $0x0;
	s2 =	sshll.u32 s1, $0xB  }
0x6: {  	s11 =	simm.s32 $0x0;
	s6 =	sadd.s32 $0x63A00, s6;
	s5 =	ssub.s32 $0x61A800, s2  }
.Ltmp0:
0x7: {  	s1 =	rddreg [dreg:$0x2];
	s4 =	sand.u32 $0xF800, s5;
	(pc) =	sbr.rel .LBB1_1-.Ltmp0, $4  }
0x8: {  	_ =	strace $0x80000059;
	s9 =	smov.u32 s2;
	p0 =	sne.s32 s4, $0x0  }
0x9: {  	s5 =	sshrl.u32 s5, $0x10;
	s4 =	simm.s32 $0x1;
	s7 =	simm.s32 @!p0 $0x0  }
0xa: {  	[sflag:s4] =	ssyncpa.u1 $0x0;
	p0 =	por $0x0, $0x0;
	s5 =	sadd.s32 s7, s5  }
0xb: {  	[sflag:s8] =	ssyncpa.u1 $0x0;
	s8 =	simm.s32 $0x61A800;
	s7 =	sadd.s32 $0x1, s5  }
.LBB1_7:
0xc: {  	s14 =	sadd.s32 $0x10000, s9  }
0xd: {  	s12 =	sadd.s32 $0x8, s10;
	s16 =	smov.u32 s10;
	p2 =	sgt.s32 s14, $0x61A7FF  }
0xe: {  	s16 =	smov.u32 @p2 s12  }
0xf: {  	s14 =	smov.u32 @p2 s2;
	p2 =	sgt.s32 s16, $0x7  }
0x10: {  	s16 =	simm.s32 @p2 $0x0;
	p2 =	sne.s32 s11, s7  }
.Ltmp1:
0x11: {  	p1 =	slt.u32 s11, $0x2;
	(pc) =	sbr.rel @!p2 .LBB1_8-.Ltmp1, $4  }
0x12: {  	s15 =	simm.s32 @!p1 $0x2  }
0x13: {  	s13 =	smov.u32 s10;
	p0 =	por !p0, !p0;
	_ =	swait.ge @!p1 [sflag:s15], $0x4000  }
0x14: {  	s12 =	smov.u32 s9;
	[sflag:s15] =	ssyncset.done @!p1 $0x0;
	s9 =	smov.u32 s14  }
0x15: {  	s11 =	sadd.s32 $0x1, s11;
	[sflag:s15] =	ssyncadd.s32 @!p1 $0xFFFFC000;
	s10 =	smov.u32 s16  }
.LBB1_1:
0x16: {  	p1 =	sge.u32 s11, s5  }
0x17: {  	s14 =	sshrl.u32 @!p1 s10, $0x3  }
0x18: {  	s15 =	sshll.u32 @!p1 s9, $0x3;
	s14 =	smul.u32 @!p1 $0x30D4000, s14  }
0x19: {  	s15 =	sand.u32 @!p1 $0xFFFFFC00, s15  }
0x1a: {  	s14 =	sadd.s32 @!p1 s14, s15  }
0x1b: {  	s15 =	sshrl.u32 @!p1 s14, $0xB  }
0x1c: {  	s16 =	sshll.u32 @!p1 s10, $0x7;
	s15 =	smulhi.u32 @!p1 $0x14F8B6, s15  }
0x1d: {  	s17 =	sand.u32 @!p1 $0x7F, s9;
	s16 =	sand.u32 @!p1 $0x380, s16  }
0x1e: {  	s16 =	sor.u32 @!p1 s17, s16;
	s17 =	smul.u32 @!p1 $0x61A800, s15  }
0x1f: {  	s14 =	sor.u32 @!p1 s14, s16  }
0x20: {  	s15 =	sand.u32 @!p1 $0x7, s15;
	s14 =	ssub.s32 @!p1 s14, s17  }
0x21: {  	s16 =	sxor.u32 @!p1 $0xFFFFFFFF, s11;
	s15 =	smul.u32 @!p1 $0xC3500, s15;
	s17 =	sshrl.u32 @!p1 s14, $0x3  }
0x22: {  	s31 =	sadd.s32 $0xFFFFFFFF, s11;
	s16 =	sshll.u32 @!p1 s16, $0xE;
	s17 =	sadd.s32 @!p1 s6, s17  }
0x23: {  	s16 =	sand.u32 @!p1 $0x4000, s16;
	s14 =	sand.u32 @!p1 $0x7, s14;
	s15 =	sadd.s32 @!p1 s15, s17  }
0x24: {  	[tilespmem:s16], [sflag:$0x1] =	stream.linear.gather @!p1 [hbm4b:s15+s14], $0x4000, $0x38;
	[tilespmem:$0x10000] =	vst v63  }
0x25: {  	p1 =	sge.u32 s31, s5  }
.Ltmp2:
0x26: {  	_ = 	snop;
	(pc) =	sbr.rel @p1 .LBB1_7-.Ltmp2, $1  }
0x27: {  	_ =	sdelay $0x3  }
0x28: {  	s14 =	simm.s32 $0x1;
	_ =	swait.ge [sflag:s4], $0x4000;
	s17 =	sshll.u32 s11, $0xE  }
0x29: {  	s14 =	simm.s32 @!p0 $0x0;
	[sflag:s4] =	ssyncset.done $0x0;
	s31 =	sand.u32 $0x4000, s17  }
0x2a: {  	s17 =	simm.s32 $0x0;
	s14 =	sshll.u32 s14, $0xE;
	[sflag:s4] =	ssyncadd.s32 $0xFFFFC000  }
0x2b: {  	s15 =	sor.u32 $0x8100, s14;
	s16 =	sor.u32 $0x800, s14;
	s14 =	sor.u32 $0x8000, s31  }
.LBB1_3:
0x2c: {  	v0 =	vld [tilespmem:s16+$0x470]  }
0x2d: {  	v1 =	vld [tilespmem:s16+$0xFFFFF810]  }
0x2e: {  	v2 =	vld [tilespmem:s16+$0xFFFFF820]  }
0x2f: {  	v3 =	vld [tilespmem:s16+$0xFFFFF830]  }
0x30: {  	v4 =	vld [tilespmem:s16+$0xFFFFF840]  }
0x31: {  	v5 =	vld [tilespmem:s16+$0xFFFFF850];
	[tilespmem:s15+$0xF0] =	vst v0  }
0x32: {  	[tilespmem:s15+$0xFFFFFF10] =	vst v1;
	v0 =	vld [tilespmem:s16+$0xFFFFF860]  }
0x33: {  	[tilespmem:s15+$0xFFFFFF20] =	vst v2;
	v1 =	vld [tilespmem:s16+$0xFFFFF870]  }
0x34: {  	[tilespmem:s15+$0xFFFFFF30] =	vst v3;
	v2 =	vld [tilespmem:s16+$0xFFFFFC00]  }
0x35: {  	[tilespmem:s15+$0xFFFFFF40] =	vst v4;
	v3 =	vld [tilespmem:s16+$0xFFFFFC10]  }
0x36: {  	[tilespmem:s15+$0xFFFFFF50] =	vst v5;
	v4 =	vld [tilespmem:s16+$0xFFFFFC20]  }
0x37: {  	v5 =	vld [tilespmem:s16+$0x420];
	[tilespmem:s15+$0xFFFFFF60] =	vst v0  }
0x38: {  	v0 =	vld [tilespmem:s16+$0xFFFFFC30];
	[tilespmem:s15+$0xFFFFFF70] =	vst v1  }
0x39: {  	v1 =	vld [tilespmem:s16+$0xFFFFFC40];
	[tilespmem:s15+$0xFFFFFF80] =	vst v2  }
0x3a: {  	[tilespmem:s15+$0xFFFFFF90] =	vst v3;
	v3 =	vld [tilespmem:s16+$0xFFFFFC60]  }
0x3b: {  	[tilespmem:s15+$0xFFFFFFA0] =	vst v4;
	v4 =	vld [tilespmem:s16+$0xFFFFFC70]  }
0x3c: {  	v2 =	vld [tilespmem:s16+$0xFFFFFC50];
	[tilespmem:s15+$0xA0] =	vst v5  }
0x3d: {  	[tilespmem:s15+$0xFFFFFFB0] =	vst v0;
	v0 =	vld [tilespmem:s16+$0x0]  }
0x3e: {  	[tilespmem:s15+$0xFFFFFFC0] =	vst v1;
	v1 =	vld [tilespmem:s16+$0x10]  }
0x3f: {  	[tilespmem:s15+$0xFFFFFFE0] =	vst v3;
	v3 =	vld [tilespmem:s16+$0x30]  }
0x40: {  	[tilespmem:s15+$0xFFFFFFF0] =	vst v4;
	v4 =	vld [tilespmem:s16+$0x40]  }
0x41: {  	[tilespmem:s15+$0xFFFFFFD0] =	vst v2;
	v2 =	vld [tilespmem:s16+$0x20]  }
0x42: {  	[tilespmem:s15+$0x0] =	vst v0;
	v0 =	vld [tilespmem:s16+$0x50]  }
0x43: {  	[tilespmem:s15+$0x10] =	vst v1;
	v1 =	vld [tilespmem:s16+$0x60]  }
0x44: {  	[tilespmem:s15+$0x30] =	vst v3;
	v3 =	vld [tilespmem:s16+$0x400]  }
0x45: {  	[tilespmem:s15+$0x40] =	vst v4;
	v4 =	vld [tilespmem:s16+$0x410]  }
0x46: {  	[tilespmem:s15+$0x20] =	vst v2;
	v2 =	vld [tilespmem:s16+$0x70]  }
0x47: {  	[tilespmem:s15+$0x50] =	vst v0;
	v0 =	vld [tilespmem:s16+$0x430]  }
0x48: {  	[tilespmem:s15+$0x60] =	vst v1;
	v1 =	vld [tilespmem:s16+$0x440]  }
0x49: {  	[tilespmem:s15+$0x80] =	vst v3;
	v3 =	vld [tilespmem:s16+$0x450]  }
0x4a: {  	[tilespmem:s15+$0x90] =	vst v4;
	v4 =	vld [tilespmem:s16+$0x460]  }
0x4b: {  	s19 =	simm.s32 $0x0;
	s20 =	sadd.s32 $0x1000, s16;
	s18 =	smov.u32 s15;
	[tilespmem:s15+$0x70] =	vst v2;
	v2 =	vld [tilespmem:s16+$0xFFFFF800]  }
.LBB1_4:
0x4c: {  	v5 =	vld [tilespmem:s20+$0x470];
	s19 =	sadd.s32 $0x200, s19;
	[tilespmem:s18+$0xB0] =	vst v0  }
0x4d: {  	v0 =	vld [tilespmem:s20+$0xFFFFF810];
	p1 =	slt.u32 s19, $0x600;
	[tilespmem:s18+$0xC0] =	vst v1  }
0x4e: {  	v1 =	vld [tilespmem:s20+$0xFFFFF820];
	[tilespmem:s18+$0xD0] =	vst v3  }
0x4f: {  	v3 =	vld [tilespmem:s20+$0xFFFFF830];
	[tilespmem:s18+$0xE0] =	vst v4  }
0x50: {  	v4 =	vld [tilespmem:s20+$0xFFFFF840];
	[tilespmem:s18+$0xFFFFFF00] =	vst v2;
	s18 =	sadd.s32 $0x200, s18  }
0x51: {  	v2 =	vld [tilespmem:s20+$0xFFFFF850];
	[tilespmem:s18+$0xF0] =	vst v5  }
0x52: {  	[tilespmem:s18+$0xFFFFFF10] =	vst v0;
	v0 =	vld [tilespmem:s20+$0xFFFFF860]  }
0x53: {  	[tilespmem:s18+$0xFFFFFF20] =	vst v1;
	v1 =	vld [tilespmem:s20+$0xFFFFF870]  }
0x54: {  	[tilespmem:s18+$0xFFFFFF30] =	vst v3;
	v3 =	vld [tilespmem:s20+$0xFFFFFC00]  }
0x55: {  	[tilespmem:s18+$0xFFFFFF40] =	vst v4;
	v4 =	vld [tilespmem:s20+$0xFFFFFC10]  }
0x56: {  	[tilespmem:s18+$0xFFFFFF50] =	vst v2;
	v2 =	vld [tilespmem:s20+$0xFFFFFC20]  }
0x57: {  	[tilespmem:s18+$0xFFFFFF60] =	vst v0;
	v0 =	vld [tilespmem:s20+$0xFFFFFC30]  }
0x58: {  	[tilespmem:s18+$0xFFFFFF70] =	vst v1;
	v1 =	vld [tilespmem:s20+$0xFFFFFC40]  }
0x59: {  	[tilespmem:s18+$0xFFFFFF80] =	vst v3;
	v3 =	vld [tilespmem:s20+$0xFFFFFC50]  }
0x5a: {  	[tilespmem:s18+$0xFFFFFF90] =	vst v4;
	v4 =	vld [tilespmem:s20+$0xFFFFFC60]  }
0x5b: {  	[tilespmem:s18+$0xFFFFFFA0] =	vst v2;
	v2 =	vld [tilespmem:s20+$0xFFFFFC70]  }
0x5c: {  	[tilespmem:s18+$0xFFFFFFB0] =	vst v0;
	v0 =	vld [tilespmem:s20+$0x0]  }
0x5d: {  	[tilespmem:s18+$0xFFFFFFC0] =	vst v1;
	v1 =	vld [tilespmem:s20+$0x10]  }
0x5e: {  	[tilespmem:s18+$0xFFFFFFD0] =	vst v3;
	v3 =	vld [tilespmem:s20+$0x20]  }
0x5f: {  	[tilespmem:s18+$0xFFFFFFE0] =	vst v4;
	v4 =	vld [tilespmem:s20+$0x30]  }
0x60: {  	[tilespmem:s18+$0xFFFFFFF0] =	vst v2;
	v2 =	vld [tilespmem:s20+$0x40]  }
0x61: {  	[tilespmem:s18+$0x0] =	vst v0;
	v0 =	vld [tilespmem:s20+$0x50]  }
0x62: {  	[tilespmem:s18+$0x10] =	vst v1;
	v1 =	vld [tilespmem:s20+$0x60]  }
0x63: {  	[tilespmem:s18+$0x20] =	vst v3;
	v3 =	vld [tilespmem:s20+$0x70]  }
0x64: {  	[tilespmem:s18+$0x30] =	vst v4;
	v4 =	vld [tilespmem:s20+$0x400]  }
0x65: {  	[tilespmem:s18+$0x40] =	vst v2;
	v2 =	vld [tilespmem:s20+$0x410]  }
0x66: {  	[tilespmem:s18+$0x50] =	vst v0;
	v5 =	vld [tilespmem:s20+$0x420]  }
.Ltmp3:
0x67: {  	[tilespmem:s18+$0x60] =	vst v1;
	v0 =	vld [tilespmem:s20+$0x430];
	(pc) =	sbr.rel @p1 .LBB1_4-.Ltmp3, $4  }
0x68: {  	[tilespmem:s18+$0x70] =	vst v3;
	v1 =	vld [tilespmem:s20+$0x440]  }
0x69: {  	[tilespmem:s18+$0x80] =	vst v4;
	v3 =	vld [tilespmem:s20+$0x450]  }
0x6a: {  	[tilespmem:s18+$0x90] =	vst v2;
	v4 =	vld [tilespmem:s20+$0x460]  }
0x6b: {  	v2 =	vld [tilespmem:s20+$0xFFFFF800];
	[tilespmem:s18+$0xA0] =	vst v5;
	s20 =	sadd.s32 $0x1000, s20  }
0x6c: {  	s17 =	sadd.s32 $0x1, s17  }
0x6d: {  	p1 =	sne.s32 s17, $0x8  }
.Ltmp4:
0x6e: {  	[tilespmem:s18+$0xB0] =	vst v0;
	(pc) =	sbr.rel @p1 .LBB1_3-.Ltmp4, $4  }
0x6f: {  	[tilespmem:s18+$0xC0] =	vst v1  }
0x70: {  	[tilespmem:s18+$0xD0] =	vst v3  }
0x71: {  	[tilespmem:s18+$0xE0] =	vst v4  }
0x72: {  	s15 =	sadd.s32 $0x800, s15;
	s16 =	sadd.s32 $0x80, s16;
	[tilespmem:s18+$0xFFFFFF00] =	vst v2  }
0x73: {  	s15 =	sshrl.u32 s12, $0xB  }
0x74: {  	s15 =	smulhi.u32 $0x14F8B6, s15;
	_ =	sdelay $0x1  }
0x75: {  	s15 =	smul.u32 $0x61A800, s15  }
0x76: {  	s13 =	smul.u32 $0xC3500, s13  }
.Ltmp5:
0x77: {  	s30 =	ssub.s32 s12, s15;
	(pc) =	sbr.rel .LBB1_7-.Ltmp5, $4  }
0x78: {  	s15 =	sand.u32 $0x7, s30  }
0x79: {  	s13 =	sadd.s32 s3, s13;
	s12 =	sshrl.u32 s30, $0x3;
	s15 =	sshll.u32 s15, $0x12  }
0x7a: {  	s12 =	sadd.s32 s12, s13;
	s31 =	sor.u32 $0x800, s15  }
0x7b: {  	[hbm4b:s12+s31] =	stream.strided.scatter [tilespmem:s14], [sflag:$0x2], $0x4000, s8, s31, $0x38;
	[tilespmem:$0x10000] =	vst v63  }
.LBB1_8:
0x7c: {  	_ =	sfence.sel $0x180000  }
0x7d: {  	s2 =	simm.s32 $0x1;
	[bflag:$0x0] =	sbarrier.arrive $0xFFFF  }
0x7e: {  	s31 =	simm.s32 $0x2;
	[sflag:s2] =	ssyncpa.u1 $0x1  }
0x7f: {  	[sflag:s31] =	ssyncpa.u1 $0x1  }
0x80: {  	p0 =	sne.s32 s0, $0x0;
	_ =	strace $0x90000059  }
0x81: {  	s0 =	sadd.s32 @!p0 $0x100000, s1;
	[bflag:$0x2] =	sbarrier.arrive $0xFFFF  }
0x82: {  	[sflag:s0] =	ssyncadd.tile.s32 @!p0 $0x1;
	_ =	shalt  }
.Lfunc_end1:
_tile_overlayer_lowered:
.L_overlay_start_2:
0x83: {  	(tag) =	ssettag $0x2  }
0x84: {  	s0 =	rddreg [dreg:$0x0];
	s2 =	stileid.u32  }
0x85: {  	s1 =	rddreg [dreg:$0x1];
	p0 =	sne.s32 s2, $0x0  }
0x86: {  	s3 =	rddreg [dreg:$0x2];
	[bflag:$0x3] =	sbarrier.arrive $0xFFFF;
	s2 =	simm.s32 @!p0 $0x1C01  }
0x87: {  	[timem:s3], [sflag:s2] =	dma.local @!p0 [hbm:s0], s1  }
0x88: {  	s0 =	simm.s32 @!p0 $0x1  }
0x89: {  	_ =	swait.ge @!p0 [sflag:s0], s1  }
0x8a: {  	s1 =	ssub.s32 @!p0 $0x0, s1;
	[sflag:s0] =	ssyncset.done @!p0 $0x0  }
0x8b: {  	[sflag:s0] =	ssyncadd.s32 @!p0 s1  }
0x8c: {  	[bflag:$0x3] =	sbarrier.arrive $0xFFFF  }
0x8d: {  	_ =	shalt  }

</sc_bundles>
